<compile_context>
chip_gen: v7x
topology: tpu7x:2x2x1
jax: 0.10.2.dev20260603
libtpu: 0.0.44.dev20260713+nightly
codegen_flags: <defaults>
</compile_context>

<pallas_src>
import functools
import math

import jax
import jax.numpy as jnp
from jax import lax
from jax.experimental import pallas as pl
from jax.experimental.pallas import tpu as pltpu
from jax.experimental.pallas import tpu_sc as plsc

DIM = 256
T_MAX = 240

NC = 2
NS = 16
NW = NC * NS

B = 4096
L = 50
B_TOTAL = B * L
ROWS_PER_W = B_TOTAL // NW
CHUNK = 128
NCHUNK = ROWS_PER_W // CHUNK
NBUF = 3
NGROUP = NCHUNK // NBUF
NREM = NCHUNK - NGROUP * NBUF


def _build_base():
    t = jnp.arange(T_MAX, dtype=jnp.float32)[:, None]
    denominator = jnp.exp(
        jnp.arange(DIM, dtype=jnp.float32) * math.log(10000.0) / DIM)
    base = t / denominator
    col = jnp.arange(DIM)
    return jnp.where((col % 2) == 0, jnp.sin(base), jnp.cos(base))



def _proj_body(base_ref, wt_ref, b_ref, out_ref):
    out_ref[...] = jnp.dot(
        base_ref[...], wt_ref[...],
        preferred_element_type=jnp.float32) + b_ref[...]


NREP = 2 * NW


def _project_table(base, Wt, b2):
    return pl.pallas_call(
        _proj_body,
        grid=(NREP,),
        in_specs=[
            pl.BlockSpec((T_MAX, DIM), lambda k: (0, 0)),
            pl.BlockSpec((DIM, DIM), lambda k: (0, 0)),
            pl.BlockSpec((1, DIM), lambda k: (0, 0)),
        ],
        out_specs=pl.BlockSpec((T_MAX, DIM), lambda k: (k, 0)),
        out_shape=jax.ShapeDtypeStruct((NREP * T_MAX, DIM), jnp.float32),
    )(base, Wt, b2)



_MESH = plsc.VectorSubcoreMesh(
    core_axis_name="c", subcore_axis_name="s", num_cores=NC, num_subcores=NS)


@functools.partial(
    pl.kernel,
    out_type=jax.ShapeDtypeStruct((B_TOTAL, DIM), jnp.float32),
    mesh=_MESH,
    scratch_types=[
        pltpu.VMEM((NCHUNK, CHUNK), jnp.int32),
        [pltpu.VMEM((CHUNK, DIM), jnp.float32) for _ in range(NBUF)],
        [pltpu.SemaphoreType.DMA for _ in range(NBUF)],
        [pltpu.SemaphoreType.DMA for _ in range(NBUF)],
    ],
)
def _gather(table_hbm, idx_hbm, out_hbm, idx_v, bufs, gsems, wsems):
    wid = lax.axis_index("s") * NC + lax.axis_index("c")
    pltpu.sync_copy(idx_hbm.at[wid], idx_v)
    row0 = wid * ROWS_PER_W

    def g_start(j, b):
        pltpu.async_copy(table_hbm.at[idx_v.at[j]], bufs[b], gsems[b])

    def g_wait(j, b):
        pltpu.make_async_copy(
            table_hbm.at[idx_v.at[j]], bufs[b], gsems[b]).wait()

    def w_dst(j):
        return out_hbm.at[pl.ds(row0 + j * CHUNK, CHUNK)]

    def w_start(j, b):
        pltpu.async_copy(bufs[b], w_dst(j), wsems[b])

    def w_wait(j, b):
        pltpu.make_async_copy(bufs[b], w_dst(j), wsems[b]).wait()

    for b in range(NBUF):
        g_start(b, b)

    def group(g, _):
        for b in range(NBUF):
            j = g * NBUF + b
            g_wait(j, b)
            w_start(j, b)
            jn = j + NBUF

            @pl.when(jn < NCHUNK)
            def _():
                w_wait(j, b)
                g_start(jn, b)

        return 0

    lax.fori_loop(0, NGROUP, group, 0)
    for r in range(NREM):
        j = NGROUP * NBUF + r
        g_wait(j, j % NBUF)
        w_start(j, j % NBUF)
    for k in range(NBUF):
        j = NCHUNK - NBUF + k
        w_wait(j, j % NBUF)


def kernel(delta_t, W, b):
    base = _build_base()
    proj = _project_table(base, W.T, b[None, :])
    idx = delta_t.T.astype(jnp.int32).reshape(NW, NCHUNK, CHUNK)
    rep = (jnp.arange(NW, dtype=jnp.int32)[:, None] * 2
           + jnp.arange(NCHUNK, dtype=jnp.int32)[None, :] % 2)
    idx = idx + rep[:, :, None] * T_MAX
    out_flat = _gather(proj, idx)
    return jnp.swapaxes(out_flat.reshape(L, B, DIM), 0, 1)

# --- scband reference (transcript-rebuilt; emitter-appended) ---
"""Pipeline reference for scband-relative-temporal-encoding-32349693674124 (READ-ONLY COPY).

The authoritative reference and input builder live on the scoring server;
editing this copy changes nothing except your own understanding.
"""

import jax, jax.numpy as jnp
import numpy as np
import math

DIM = 256
T_MAX = 240

def _build_base(dim=DIM, t_max=T_MAX):
    t = jnp.arange(t_max, dtype=jnp.float32)[:, None]
    denominator = jnp.exp(jnp.arange(dim, dtype=jnp.float32) * math.log(10000.0) / dim)
    base = t / denominator
    col = jnp.arange(dim)
    base = jnp.where((col % 2) == 0, jnp.sin(base), jnp.cos(base))
    return base

def setup_inputs(seed: int = 0) -> dict:
    key = jax.random.key(seed)
    k1, k2, k3 = jax.random.split(key, 3)
    delta_t = jax.random.randint(k1, (4096, 50), 0, T_MAX, dtype=jnp.int64 if jax.config.jax_enable_x64 else jnp.int32)
    bound = 1.0 / math.sqrt(DIM)
    W = jax.random.uniform(k2, (DIM, DIM), dtype=jnp.float32, minval=-bound, maxval=bound)
    b = jax.random.uniform(k3, (DIM,), dtype=jnp.float32, minval=-bound, maxval=bound)
    return {"delta_t": delta_t, "W": W, "b": b}

def reference(delta_t, W, b):
    base = _build_base()
    gathered = jnp.take(base, delta_t, axis=0)  # [B, L, dim]
    out = jnp.einsum('bld,od->blo', gathered, W) + b
    return out

if __name__ == "__main__":
    import jax
    _d = setup_inputs()
    print(jax.jit(kernel)(*tuple(_d.values())))

</pallas_src>

<mosaic_0001>
#map = affine_map<(d0, d1) -> (0, 0)>
#map1 = affine_map<(d0, d1) -> (0, 0, 0)>
module attributes {stable_mosaic.version = 14 : i64} {
  func.func @_gather(%arg0: i32, %arg1: i32, %arg2: memref<15360x256xf32, #tpu.memory_space<hbm>>, %arg3: memref<32x50x128xi32, #tpu.memory_space<hbm>>, %arg4: memref<204800x256xf32, #tpu.memory_space<hbm>>, %arg5: memref<50x128xi32, #tpu.memory_space<vmem>>, %arg6: memref<128x256xf32, #tpu.memory_space<vmem>>, %arg7: memref<128x256xf32, #tpu.memory_space<vmem>>, %arg8: memref<128x256xf32, #tpu.memory_space<vmem>>, %arg9: memref<!tpu.dma_semaphore, #tpu.memory_space<semaphore_mem>>, %arg10: memref<!tpu.dma_semaphore, #tpu.memory_space<semaphore_mem>>, %arg11: memref<!tpu.dma_semaphore, #tpu.memory_space<semaphore_mem>>, %arg12: memref<!tpu.dma_semaphore, #tpu.memory_space<semaphore_mem>>, %arg13: memref<!tpu.dma_semaphore, #tpu.memory_space<semaphore_mem>>, %arg14: memref<!tpu.dma_semaphore, #tpu.memory_space<semaphore_mem>>) attributes {dimension_semantics = [#tpu.dimension_semantics<core_parallel>, #tpu.dimension_semantics<subcore_parallel>], iteration_bounds = array<i64: 2, 16>, scalar_prefetch = 0 : i64, scratch_operands = 10 : i64, tpu.core_type = #tpu.core_type<sc_vector_subcore>, window_params = [{transform_indices = #map}, {transform_indices = #map1}, {transform_indices = #map}]} {
    %mul3A = arith.constant 2 : i32
    %mul3A_0 = arith.muli %arg1, %mul3A : i32
    %add3A = arith.addi %mul3A_0, %arg0 : i32
    "tpu.region"() ({
      %run_scoped3A = tpu.sem_alloc : memref<!tpu.dma_semaphore, #tpu.memory_space<semaphore_mem>>
      %dma_start3A_72 = arith.constant 0 : i32
      %dma_start3A_73 = arith.constant 0 : i32
      %dma_start3A_74 = tpu.memref_slice %arg3[%add3A, %dma_start3A_72, %dma_start3A_73] : memref<32x50x128xi32, #tpu.memory_space<hbm>> -> memref<1x50x128xi32, #tpu.memory_space<hbm>>
      %dma_start3A_75 = tpu.memref_squeeze %dma_start3A_74 : memref<1x50x128xi32, #tpu.memory_space<hbm>> -> memref<50x128xi32, #tpu.memory_space<hbm>>
      %dma_start3A_76 = arith.constant 0 : i32
      %dma_start3A_77 = arith.constant 0 : i32
      %dma_start3A_78 = tpu.memref_slice %arg3[%add3A, %dma_start3A_76, %dma_start3A_77] : memref<32x50x128xi32, #tpu.memory_space<hbm>> -> memref<1x50x128xi32, #tpu.memory_space<hbm>>
      %dma_start3A_79 = tpu.memref_squeeze %dma_start3A_78 : memref<1x50x128xi32, #tpu.memory_space<hbm>> -> memref<50x128xi32, #tpu.memory_space<hbm>>
      tpu.enqueue_dma source(%dma_start3A_79 : memref<50x128xi32, #tpu.memory_space<hbm>>) target(%arg5 : memref<50x128xi32, #tpu.memory_space<vmem>>) target_semaphore(%run_scoped3A : memref<!tpu.dma_semaphore, #tpu.memory_space<semaphore_mem>>)
      %dma_wait3A_80 = arith.constant 0 : i32
      %dma_wait3A_81 = arith.constant 0 : i32
      %dma_wait3A_82 = tpu.memref_slice %arg3[%add3A, %dma_wait3A_80, %dma_wait3A_81] : memref<32x50x128xi32, #tpu.memory_space<hbm>> -> memref<1x50x128xi32, #tpu.memory_space<hbm>>
      %dma_wait3A_83 = tpu.memref_squeeze %dma_wait3A_82 : memref<1x50x128xi32, #tpu.memory_space<hbm>> -> memref<50x128xi32, #tpu.memory_space<hbm>>
      %dma_wait3A_84 = arith.constant 0 : i32
      %dma_wait3A_85 = arith.constant 0 : i32
      %dma_wait3A_86 = tpu.memref_slice %arg3[%add3A, %dma_wait3A_84, %dma_wait3A_85] : memref<32x50x128xi32, #tpu.memory_space<hbm>> -> memref<1x50x128xi32, #tpu.memory_space<hbm>>
      %dma_wait3A_87 = tpu.memref_squeeze %dma_wait3A_86 : memref<1x50x128xi32, #tpu.memory_space<hbm>> -> memref<50x128xi32, #tpu.memory_space<hbm>>
      tpu.wait_dma2 semaphore(%run_scoped3A : memref<!tpu.dma_semaphore, #tpu.memory_space<semaphore_mem>>) src(%dma_wait3A_87 : memref<50x128xi32, #tpu.memory_space<hbm>>) dst(%arg5 : memref<50x128xi32, #tpu.memory_space<vmem>>)
      tpu.yield
    }) : () -> ()
    %mul3A_1 = arith.constant 6400 : i32
    %mul3A_2 = arith.muli %add3A, %mul3A_1 : i32
    %dma_start3A = arith.constant 0 : i32
    %dma_start3A_3 = arith.constant 0 : i32
    %dma_start3A_4 = tpu.memref_slice %arg5[%dma_start3A, %dma_start3A_3] : memref<50x128xi32, #tpu.memory_space<vmem>> -> memref<1x128xi32, #tpu.memory_space<vmem>>
    %dma_start3A_5 = tpu.memref_squeeze %dma_start3A_4 : memref<1x128xi32, #tpu.memory_space<vmem>> -> memref<128xi32, #tpu.memory_space<vmem>>
    %dma_start3A_6 = arith.constant 0 : i32
    %dma_start3A_7 = arith.constant 0 : i32
    %dma_start3A_8 = tpu.memref_slice %arg2[%dma_start3A_6, %dma_start3A_7] : memref<15360x256xf32, #tpu.memory_space<hbm>> -> memref<15360x256xf32, #tpu.memory_space<hbm>>
    tpu.enqueue_indirect_dma source(%dma_start3A_8 : memref<15360x256xf32, #tpu.memory_space<hbm>>) target(%arg6 : memref<128x256xf32, #tpu.memory_space<vmem>>) offsets(%dma_start3A_5 : memref<128xi32, #tpu.memory_space<vmem>>) semaphore(%arg9 : memref<!tpu.dma_semaphore, #tpu.memory_space<semaphore_mem>>)
    %dma_start3A_9 = arith.constant 1 : i32
    %dma_start3A_10 = arith.constant 0 : i32
    %dma_start3A_11 = tpu.memref_slice %arg5[%dma_start3A_9, %dma_start3A_10] : memref<50x128xi32, #tpu.memory_space<vmem>> -> memref<1x128xi32, #tpu.memory_space<vmem>>
    %dma_start3A_12 = tpu.memref_squeeze %dma_start3A_11 : memref<1x128xi32, #tpu.memory_space<vmem>> -> memref<128xi32, #tpu.memory_space<vmem>>
    %dma_start3A_13 = arith.constant 0 : i32
    %dma_start3A_14 = arith.constant 0 : i32
    %dma_start3A_15 = tpu.memref_slice %arg2[%dma_start3A_13, %dma_start3A_14] : memref<15360x256xf32, #tpu.memory_space<hbm>> -> memref<15360x256xf32, #tpu.memory_space<hbm>>
    tpu.enqueue_indirect_dma source(%dma_start3A_15 : memref<15360x256xf32, #tpu.memory_space<hbm>>) target(%arg7 : memref<128x256xf32, #tpu.memory_space<vmem>>) offsets(%dma_start3A_12 : memref<128xi32, #tpu.memory_space<vmem>>) semaphore(%arg10 : memref<!tpu.dma_semaphore, #tpu.memory_space<semaphore_mem>>)
    %dma_start3A_16 = arith.constant 2 : i32
    %dma_start3A_17 = arith.constant 0 : i32
    %dma_start3A_18 = tpu.memref_slice %arg5[%dma_start3A_16, %dma_start3A_17] : memref<50x128xi32, #tpu.memory_space<vmem>> -> memref<1x128xi32, #tpu.memory_space<vmem>>
    %dma_start3A_19 = tpu.memref_squeeze %dma_start3A_18 : memref<1x128xi32, #tpu.memory_space<vmem>> -> memref<128xi32, #tpu.memory_space<vmem>>
    %dma_start3A_20 = arith.constant 0 : i32
    %dma_start3A_21 = arith.constant 0 : i32
    %dma_start3A_22 = tpu.memref_slice %arg2[%dma_start3A_20, %dma_start3A_21] : memref<15360x256xf32, #tpu.memory_space<hbm>> -> memref<15360x256xf32, #tpu.memory_space<hbm>>
    tpu.enqueue_indirect_dma source(%dma_start3A_22 : memref<15360x256xf32, #tpu.memory_space<hbm>>) target(%arg8 : memref<128x256xf32, #tpu.memory_space<vmem>>) offsets(%dma_start3A_19 : memref<128xi32, #tpu.memory_space<vmem>>) semaphore(%arg11 : memref<!tpu.dma_semaphore, #tpu.memory_space<semaphore_mem>>)
    %scan3A = arith.constant 0 : i32
    %scan3A_23 = arith.constant 0 : i32
    %scan3A_24 = arith.constant 16 : i32
    %scan3A_25 = arith.addi %scan3A_23, %scan3A_24 : i32
    %scan3A_26 = arith.constant 1 : i32
    %scan3A_27 = scf.for %scan3A_72 = %scan3A_23 to %scan3A_25 step %scan3A_26 iter_args(%scan3A_73 = %scan3A) -> (i32)  : i32 {
      %mul3A_74 = arith.constant 3 : i32
      %mul3A_75 = arith.muli %scan3A_72, %mul3A_74 : i32
      %add3A_76 = arith.constant 0 : i32
      %add3A_77 = arith.addi %mul3A_75, %add3A_76 : i32
      %dma_wait3A_78 = arith.constant 0 : i32
      %dma_wait3A_79 = tpu.memref_slice %arg5[%add3A_77, %dma_wait3A_78] : memref<50x128xi32, #tpu.memory_space<vmem>> -> memref<1x128xi32, #tpu.memory_space<vmem>>
      %dma_wait3A_80 = tpu.memref_squeeze %dma_wait3A_79 : memref<1x128xi32, #tpu.memory_space<vmem>> -> memref<128xi32, #tpu.memory_space<vmem>>
      %dma_wait3A_81 = arith.constant 0 : i32
      %dma_wait3A_82 = arith.constant 0 : i32
      %dma_wait3A_83 = tpu.memref_slice %arg2[%dma_wait3A_81, %dma_wait3A_82] : memref<15360x256xf32, #tpu.memory_space<hbm>> -> memref<15360x256xf32, #tpu.memory_space<hbm>>
      tpu.wait_indirect_dma semaphore(%arg9 : memref<!tpu.dma_semaphore, #tpu.memory_space<semaphore_mem>>) src(%dma_wait3A_83 : memref<15360x256xf32, #tpu.memory_space<hbm>>) dst(%arg6 : memref<128x256xf32, #tpu.memory_space<vmem>>)
      %mul3A_84 = arith.constant 128 : i32
      %mul3A_85 = arith.muli %add3A_77, %mul3A_84 : i32
      %add3A_86 = arith.addi %mul3A_2, %mul3A_85 : i32
      %dma_start3A_87 = arith.constant 0 : i32
      %dma_start3A_88 = tpu.memref_slice %arg4[%add3A_86, %dma_start3A_87] : memref<204800x256xf32, #tpu.memory_space<hbm>> -> memref<128x256xf32, #tpu.memory_space<hbm>>
      %dma_start3A_89 = arith.constant 0 : i32
      %dma_start3A_90 = tpu.memref_slice %arg4[%add3A_86, %dma_start3A_89] : memref<204800x256xf32, #tpu.memory_space<hbm>> -> memref<128x256xf32, #tpu.memory_space<hbm>>
      tpu.enqueue_dma source(%arg6 : memref<128x256xf32, #tpu.memory_space<vmem>>) target(%dma_start3A_90 : memref<128x256xf32, #tpu.memory_space<hbm>>) target_semaphore(%arg12 : memref<!tpu.dma_semaphore, #tpu.memory_space<semaphore_mem>>)
      %add3A_91 = arith.constant 3 : i32
      %add3A_92 = arith.addi %add3A_77, %add3A_91 : i32
      %lt3A = arith.constant 50 : i32
      %lt3A_93 = arith.cmpi slt, %add3A_92, %lt3A : i32
      %convert_element_type3A = arith.extui %lt3A_93 : i1 to i32
      %cond3A = arith.constant 0 : i32
      %cond3A_94 = arith.cmpi ne, %convert_element_type3A, %cond3A : i32
      scf.if %cond3A_94 {
        %mul3A_144 = arith.constant 128 : i32
        %mul3A_145 = arith.muli %add3A_77, %mul3A_144 : i32
        %add3A_146 = arith.addi %mul3A_2, %mul3A_145 : i32
        %dma_wait3A_147 = arith.constant 0 : i32
        %dma_wait3A_148 = tpu.memref_slice %arg4[%add3A_146, %dma_wait3A_147] : memref<204800x256xf32, #tpu.memory_space<hbm>> -> memref<128x256xf32, #tpu.memory_space<hbm>>
        %dma_wait3A_149 = arith.constant 0 : i32
        %dma_wait3A_150 = tpu.memref_slice %arg4[%add3A_146, %dma_wait3A_149] : memref<204800x256xf32, #tpu.memory_space<hbm>> -> memref<128x256xf32, #tpu.memory_space<hbm>>
        tpu.wait_dma2 semaphore(%arg12 : memref<!tpu.dma_semaphore, #tpu.memory_space<semaphore_mem>>) src(%arg6 : memref<128x256xf32, #tpu.memory_space<vmem>>) dst(%dma_wait3A_150 : memref<128x256xf32, #tpu.memory_space<hbm>>)
        %dma_start3A_151 = arith.constant 0 : i32
        %dma_start3A_152 = tpu.memref_slice %arg5[%add3A_92, %dma_start3A_151] : memref<50x128xi32, #tpu.memory_space<vmem>> -> memref<1x128xi32, #tpu.memory_space<vmem>>
        %dma_start3A_153 = tpu.memref_squeeze %dma_start3A_152 : memref<1x128xi32, #tpu.memory_space<vmem>> -> memref<128xi32, #tpu.memory_space<vmem>>
        %dma_start3A_154 = arith.constant 0 : i32
        %dma_start3A_155 = arith.constant 0 : i32
        %dma_start3A_156 = tpu.memref_slice %arg2[%dma_start3A_154, %dma_start3A_155] : memref<15360x256xf32, #tpu.memory_space<hbm>> -> memref<15360x256xf32, #tpu.memory_space<hbm>>
        tpu.enqueue_indirect_dma source(%dma_start3A_156 : memref<15360x256xf32, #tpu.memory_space<hbm>>) target(%arg6 : memref<128x256xf32, #tpu.memory_space<vmem>>) offsets(%dma_start3A_153 : memref<128xi32, #tpu.memory_space<vmem>>) semaphore(%arg9 : memref<!tpu.dma_semaphore, #tpu.memory_space<semaphore_mem>>)
      } else {
      }
      %mul3A_95 = arith.constant 3 : i32
      %mul3A_96 = arith.muli %scan3A_72, %mul3A_95 : i32
      %add3A_97 = arith.constant 1 : i32
      %add3A_98 = arith.addi %mul3A_96, %add3A_97 : i32
      %dma_wait3A_99 = arith.constant 0 : i32
      %dma_wait3A_100 = tpu.memref_slice %arg5[%add3A_98, %dma_wait3A_99] : memref<50x128xi32, #tpu.memory_space<vmem>> -> memref<1x128xi32, #tpu.memory_space<vmem>>
      %dma_wait3A_101 = tpu.memref_squeeze %dma_wait3A_100 : memref<1x128xi32, #tpu.memory_space<vmem>> -> memref<128xi32, #tpu.memory_space<vmem>>
      %dma_wait3A_102 = arith.constant 0 : i32
      %dma_wait3A_103 = arith.constant 0 : i32
      %dma_wait3A_104 = tpu.memref_slice %arg2[%dma_wait3A_102, %dma_wait3A_103] : memref<15360x256xf32, #tpu.memory_space<hbm>> -> memref<15360x256xf32, #tpu.memory_space<hbm>>
      tpu.wait_indirect_dma semaphore(%arg10 : memref<!tpu.dma_semaphore, #tpu.memory_space<semaphore_mem>>) src(%dma_wait3A_104 : memref<15360x256xf32, #tpu.memory_space<hbm>>) dst(%arg7 : memref<128x256xf32, #tpu.memory_space<vmem>>)
      %mul3A_105 = arith.constant 128 : i32
      %mul3A_106 = arith.muli %add3A_98, %mul3A_105 : i32
      %add3A_107 = arith.addi %mul3A_2, %mul3A_106 : i32
      %dma_start3A_108 = arith.constant 0 : i32
      %dma_start3A_109 = tpu.memref_slice %arg4[%add3A_107, %dma_start3A_108] : memref<204800x256xf32, #tpu.memory_space<hbm>> -> memref<128x256xf32, #tpu.memory_space<hbm>>
      %dma_start3A_110 = arith.constant 0 : i32
      %dma_start3A_111 = tpu.memref_slice %arg4[%add3A_107, %dma_start3A_110] : memref<204800x256xf32, #tpu.memory_space<hbm>> -> memref<128x256xf32, #tpu.memory_space<hbm>>
      tpu.enqueue_dma source(%arg7 : memref<128x256xf32, #tpu.memory_space<vmem>>) target(%dma_start3A_111 : memref<128x256xf32, #tpu.memory_space<hbm>>) target_semaphore(%arg13 : memref<!tpu.dma_semaphore, #tpu.memory_space<semaphore_mem>>)
      %add3A_112 = arith.constant 3 : i32
      %add3A_113 = arith.addi %add3A_98, %add3A_112 : i32
      %lt3A_114 = arith.constant 50 : i32
      %lt3A_115 = arith.cmpi slt, %add3A_113, %lt3A_114 : i32
      %convert_element_type3A_116 = arith.extui %lt3A_115 : i1 to i32
      %cond3A_117 = arith.constant 0 : i32
      %cond3A_118 = arith.cmpi ne, %convert_element_type3A_116, %cond3A_117 : i32
      scf.if %cond3A_118 {
        %mul3A_144 = arith.constant 128 : i32
        %mul3A_145 = arith.muli %add3A_98, %mul3A_144 : i32
        %add3A_146 = arith.addi %mul3A_2, %mul3A_145 : i32
        %dma_wait3A_147 = arith.constant 0 : i32
        %dma_wait3A_148 = tpu.memref_slice %arg4[%add3A_146, %dma_wait3A_147] : memref<204800x256xf32, #tpu.memory_space<hbm>> -> memref<128x256xf32, #tpu.memory_space<hbm>>
        %dma_wait3A_149 = arith.constant 0 : i32
        %dma_wait3A_150 = tpu.memref_slice %arg4[%add3A_146, %dma_wait3A_149] : memref<204800x256xf32, #tpu.memory_space<hbm>> -> memref<128x256xf32, #tpu.memory_space<hbm>>
        tpu.wait_dma2 semaphore(%arg13 : memref<!tpu.dma_semaphore, #tpu.memory_space<semaphore_mem>>) src(%arg7 : memref<128x256xf32, #tpu.memory_space<vmem>>) dst(%dma_wait3A_150 : memref<128x256xf32, #tpu.memory_space<hbm>>)
        %dma_start3A_151 = arith.constant 0 : i32
        %dma_start3A_152 = tpu.memref_slice %arg5[%add3A_113, %dma_start3A_151] : memref<50x128xi32, #tpu.memory_space<vmem>> -> memref<1x128xi32, #tpu.memory_space<vmem>>
        %dma_start3A_153 = tpu.memref_squeeze %dma_start3A_152 : memref<1x128xi32, #tpu.memory_space<vmem>> -> memref<128xi32, #tpu.memory_space<vmem>>
        %dma_start3A_154 = arith.constant 0 : i32
        %dma_start3A_155 = arith.constant 0 : i32
        %dma_start3A_156 = tpu.memref_slice %arg2[%dma_start3A_154, %dma_start3A_155] : memref<15360x256xf32, #tpu.memory_space<hbm>> -> memref<15360x256xf32, #tpu.memory_space<hbm>>
        tpu.enqueue_indirect_dma source(%dma_start3A_156 : memref<15360x256xf32, #tpu.memory_space<hbm>>) target(%arg7 : memref<128x256xf32, #tpu.memory_space<vmem>>) offsets(%dma_start3A_153 : memref<128xi32, #tpu.memory_space<vmem>>) semaphore(%arg10 : memref<!tpu.dma_semaphore, #tpu.memory_space<semaphore_mem>>)
      } else {
      }
      %mul3A_119 = arith.constant 3 : i32
      %mul3A_120 = arith.muli %scan3A_72, %mul3A_119 : i32
      %add3A_121 = arith.constant 2 : i32
      %add3A_122 = arith.addi %mul3A_120, %add3A_121 : i32
      %dma_wait3A_123 = arith.constant 0 : i32
      %dma_wait3A_124 = tpu.memref_slice %arg5[%add3A_122, %dma_wait3A_123] : memref<50x128xi32, #tpu.memory_space<vmem>> -> memref<1x128xi32, #tpu.memory_space<vmem>>
      %dma_wait3A_125 = tpu.memref_squeeze %dma_wait3A_124 : memref<1x128xi32, #tpu.memory_space<vmem>> -> memref<128xi32, #tpu.memory_space<vmem>>
      %dma_wait3A_126 = arith.constant 0 : i32
      %dma_wait3A_127 = arith.constant 0 : i32
      %dma_wait3A_128 = tpu.memref_slice %arg2[%dma_wait3A_126, %dma_wait3A_127] : memref<15360x256xf32, #tpu.memory_space<hbm>> -> memref<15360x256xf32, #tpu.memory_space<hbm>>
      tpu.wait_indirect_dma semaphore(%arg11 : memref<!tpu.dma_semaphore, #tpu.memory_space<semaphore_mem>>) src(%dma_wait3A_128 : memref<15360x256xf32, #tpu.memory_space<hbm>>) dst(%arg8 : memref<128x256xf32, #tpu.memory_space<vmem>>)
      %mul3A_129 = arith.constant 128 : i32
      %mul3A_130 = arith.muli %add3A_122, %mul3A_129 : i32
      %add3A_131 = arith.addi %mul3A_2, %mul3A_130 : i32
      %dma_start3A_132 = arith.constant 0 : i32
      %dma_start3A_133 = tpu.memref_slice %arg4[%add3A_131, %dma_start3A_132] : memref<204800x256xf32, #tpu.memory_space<hbm>> -> memref<128x256xf32, #tpu.memory_space<hbm>>
      %dma_start3A_134 = arith.constant 0 : i32
      %dma_start3A_135 = tpu.memref_slice %arg4[%add3A_131, %dma_start3A_134] : memref<204800x256xf32, #tpu.memory_space<hbm>> -> memref<128x256xf32, #tpu.memory_space<hbm>>
      tpu.enqueue_dma source(%arg8 : memref<128x256xf32, #tpu.memory_space<vmem>>) target(%dma_start3A_135 : memref<128x256xf32, #tpu.memory_space<hbm>>) target_semaphore(%arg14 : memref<!tpu.dma_semaphore, #tpu.memory_space<semaphore_mem>>)
      %add3A_136 = arith.constant 3 : i32
      %add3A_137 = arith.addi %add3A_122, %add3A_136 : i32
      %lt3A_138 = arith.constant 50 : i32
      %lt3A_139 = arith.cmpi slt, %add3A_137, %lt3A_138 : i32
      %convert_element_type3A_140 = arith.extui %lt3A_139 : i1 to i32
      %cond3A_141 = arith.constant 0 : i32
      %cond3A_142 = arith.cmpi ne, %convert_element_type3A_140, %cond3A_141 : i32
      scf.if %cond3A_142 {
        %mul3A_144 = arith.constant 128 : i32
        %mul3A_145 = arith.muli %add3A_122, %mul3A_144 : i32
        %add3A_146 = arith.addi %mul3A_2, %mul3A_145 : i32
        %dma_wait3A_147 = arith.constant 0 : i32
        %dma_wait3A_148 = tpu.memref_slice %arg4[%add3A_146, %dma_wait3A_147] : memref<204800x256xf32, #tpu.memory_space<hbm>> -> memref<128x256xf32, #tpu.memory_space<hbm>>
        %dma_wait3A_149 = arith.constant 0 : i32
        %dma_wait3A_150 = tpu.memref_slice %arg4[%add3A_146, %dma_wait3A_149] : memref<204800x256xf32, #tpu.memory_space<hbm>> -> memref<128x256xf32, #tpu.memory_space<hbm>>
        tpu.wait_dma2 semaphore(%arg14 : memref<!tpu.dma_semaphore, #tpu.memory_space<semaphore_mem>>) src(%arg8 : memref<128x256xf32, #tpu.memory_space<vmem>>) dst(%dma_wait3A_150 : memref<128x256xf32, #tpu.memory_space<hbm>>)
        %dma_start3A_151 = arith.constant 0 : i32
        %dma_start3A_152 = tpu.memref_slice %arg5[%add3A_137, %dma_start3A_151] : memref<50x128xi32, #tpu.memory_space<vmem>> -> memref<1x128xi32, #tpu.memory_space<vmem>>
        %dma_start3A_153 = tpu.memref_squeeze %dma_start3A_152 : memref<1x128xi32, #tpu.memory_space<vmem>> -> memref<128xi32, #tpu.memory_space<vmem>>
        %dma_start3A_154 = arith.constant 0 : i32
        %dma_start3A_155 = arith.constant 0 : i32
        %dma_start3A_156 = tpu.memref_slice %arg2[%dma_start3A_154, %dma_start3A_155] : memref<15360x256xf32, #tpu.memory_space<hbm>> -> memref<15360x256xf32, #tpu.memory_space<hbm>>
        tpu.enqueue_indirect_dma source(%dma_start3A_156 : memref<15360x256xf32, #tpu.memory_space<hbm>>) target(%arg8 : memref<128x256xf32, #tpu.memory_space<vmem>>) offsets(%dma_start3A_153 : memref<128xi32, #tpu.memory_space<vmem>>) semaphore(%arg11 : memref<!tpu.dma_semaphore, #tpu.memory_space<semaphore_mem>>)
      } else {
      }
      %scan3A_143 = arith.constant 0 : i32
      scf.yield %scan3A_143 : i32
    }
    %scan3A_28 = arith.constant 16 : i32
    %dma_wait3A = arith.constant 48 : i32
    %dma_wait3A_29 = arith.constant 0 : i32
    %dma_wait3A_30 = tpu.memref_slice %arg5[%dma_wait3A, %dma_wait3A_29] : memref<50x128xi32, #tpu.memory_space<vmem>> -> memref<1x128xi32, #tpu.memory_space<vmem>>
    %dma_wait3A_31 = tpu.memref_squeeze %dma_wait3A_30 : memref<1x128xi32, #tpu.memory_space<vmem>> -> memref<128xi32, #tpu.memory_space<vmem>>
    %dma_wait3A_32 = arith.constant 0 : i32
    %dma_wait3A_33 = arith.constant 0 : i32
    %dma_wait3A_34 = tpu.memref_slice %arg2[%dma_wait3A_32, %dma_wait3A_33] : memref<15360x256xf32, #tpu.memory_space<hbm>> -> memref<15360x256xf32, #tpu.memory_space<hbm>>
    tpu.wait_indirect_dma semaphore(%arg9 : memref<!tpu.dma_semaphore, #tpu.memory_space<semaphore_mem>>) src(%dma_wait3A_34 : memref<15360x256xf32, #tpu.memory_space<hbm>>) dst(%arg6 : memref<128x256xf32, #tpu.memory_space<vmem>>)
    %add3A_35 = arith.constant 6144 : i32
    %add3A_36 = arith.addi %mul3A_2, %add3A_35 : i32
    %dma_start3A_37 = arith.constant 0 : i32
    %dma_start3A_38 = tpu.memref_slice %arg4[%add3A_36, %dma_start3A_37] : memref<204800x256xf32, #tpu.memory_space<hbm>> -> memref<128x256xf32, #tpu.memory_space<hbm>>
    %dma_start3A_39 = arith.constant 0 : i32
    %dma_start3A_40 = tpu.memref_slice %arg4[%add3A_36, %dma_start3A_39] : memref<204800x256xf32, #tpu.memory_space<hbm>> -> memref<128x256xf32, #tpu.memory_space<hbm>>
    tpu.enqueue_dma source(%arg6 : memref<128x256xf32, #tpu.memory_space<vmem>>) target(%dma_start3A_40 : memref<128x256xf32, #tpu.memory_space<hbm>>) target_semaphore(%arg12 : memref<!tpu.dma_semaphore, #tpu.memory_space<semaphore_mem>>)
    %dma_wait3A_41 = arith.constant 49 : i32
    %dma_wait3A_42 = arith.constant 0 : i32
    %dma_wait3A_43 = tpu.memref_slice %arg5[%dma_wait3A_41, %dma_wait3A_42] : memref<50x128xi32, #tpu.memory_space<vmem>> -> memref<1x128xi32, #tpu.memory_space<vmem>>
    %dma_wait3A_44 = tpu.memref_squeeze %dma_wait3A_43 : memref<1x128xi32, #tpu.memory_space<vmem>> -> memref<128xi32, #tpu.memory_space<vmem>>
    %dma_wait3A_45 = arith.constant 0 : i32
    %dma_wait3A_46 = arith.constant 0 : i32
    %dma_wait3A_47 = tpu.memref_slice %arg2[%dma_wait3A_45, %dma_wait3A_46] : memref<15360x256xf32, #tpu.memory_space<hbm>> -> memref<15360x256xf32, #tpu.memory_space<hbm>>
    tpu.wait_indirect_dma semaphore(%arg10 : memref<!tpu.dma_semaphore, #tpu.memory_space<semaphore_mem>>) src(%dma_wait3A_47 : memref<15360x256xf32, #tpu.memory_space<hbm>>) dst(%arg7 : memref<128x256xf32, #tpu.memory_space<vmem>>)
    %add3A_48 = arith.constant 6272 : i32
    %add3A_49 = arith.addi %mul3A_2, %add3A_48 : i32
    %dma_start3A_50 = arith.constant 0 : i32
    %dma_start3A_51 = tpu.memref_slice %arg4[%add3A_49, %dma_start3A_50] : memref<204800x256xf32, #tpu.memory_space<hbm>> -> memref<128x256xf32, #tpu.memory_space<hbm>>
    %dma_start3A_52 = arith.constant 0 : i32
    %dma_start3A_53 = tpu.memref_slice %arg4[%add3A_49, %dma_start3A_52] : memref<204800x256xf32, #tpu.memory_space<hbm>> -> memref<128x256xf32, #tpu.memory_space<hbm>>
    tpu.enqueue_dma source(%arg7 : memref<128x256xf32, #tpu.memory_space<vmem>>) target(%dma_start3A_53 : memref<128x256xf32, #tpu.memory_space<hbm>>) target_semaphore(%arg13 : memref<!tpu.dma_semaphore, #tpu.memory_space<semaphore_mem>>)
    %add3A_54 = arith.constant 6016 : i32
    %add3A_55 = arith.addi %mul3A_2, %add3A_54 : i32
    %dma_wait3A_56 = arith.constant 0 : i32
    %dma_wait3A_57 = tpu.memref_slice %arg4[%add3A_55, %dma_wait3A_56] : memref<204800x256xf32, #tpu.memory_space<hbm>> -> memref<128x256xf32, #tpu.memory_space<hbm>>
    %dma_wait3A_58 = arith.constant 0 : i32
    %dma_wait3A_59 = tpu.memref_slice %arg4[%add3A_55, %dma_wait3A_58] : memref<204800x256xf32, #tpu.memory_space<hbm>> -> memref<128x256xf32, #tpu.memory_space<hbm>>
    tpu.wait_dma2 semaphore(%arg14 : memref<!tpu.dma_semaphore, #tpu.memory_space<semaphore_mem>>) src(%arg8 : memref<128x256xf32, #tpu.memory_space<vmem>>) dst(%dma_wait3A_59 : memref<128x256xf32, #tpu.memory_space<hbm>>)
    %add3A_60 = arith.constant 6144 : i32
    %add3A_61 = arith.addi %mul3A_2, %add3A_60 : i32
    %dma_wait3A_62 = arith.constant 0 : i32
    %dma_wait3A_63 = tpu.memref_slice %arg4[%add3A_61, %dma_wait3A_62] : memref<204800x256xf32, #tpu.memory_space<hbm>> -> memref<128x256xf32, #tpu.memory_space<hbm>>
    %dma_wait3A_64 = arith.constant 0 : i32
    %dma_wait3A_65 = tpu.memref_slice %arg4[%add3A_61, %dma_wait3A_64] : memref<204800x256xf32, #tpu.memory_space<hbm>> -> memref<128x256xf32, #tpu.memory_space<hbm>>
    tpu.wait_dma2 semaphore(%arg12 : memref<!tpu.dma_semaphore, #tpu.memory_space<semaphore_mem>>) src(%arg6 : memref<128x256xf32, #tpu.memory_space<vmem>>) dst(%dma_wait3A_65 : memref<128x256xf32, #tpu.memory_space<hbm>>)
    %add3A_66 = arith.constant 6272 : i32
    %add3A_67 = arith.addi %mul3A_2, %add3A_66 : i32
    %dma_wait3A_68 = arith.constant 0 : i32
    %dma_wait3A_69 = tpu.memref_slice %arg4[%add3A_67, %dma_wait3A_68] : memref<204800x256xf32, #tpu.memory_space<hbm>> -> memref<128x256xf32, #tpu.memory_space<hbm>>
    %dma_wait3A_70 = arith.constant 0 : i32
    %dma_wait3A_71 = tpu.memref_slice %arg4[%add3A_67, %dma_wait3A_70] : memref<204800x256xf32, #tpu.memory_space<hbm>> -> memref<128x256xf32, #tpu.memory_space<hbm>>
    tpu.wait_dma2 semaphore(%arg13 : memref<!tpu.dma_semaphore, #tpu.memory_space<semaphore_mem>>) src(%arg7 : memref<128x256xf32, #tpu.memory_space<vmem>>) dst(%dma_wait3A_71 : memref<128x256xf32, #tpu.memory_space<hbm>>)
    return
  }
}

module attributes {stable_mosaic.version = 14 : i64} {
  func.func @_proj_body(%arg0: i32, %arg1: memref<240x256xf32, #tpu.memory_space<vmem>>, %arg2: memref<256x256xf32, #tpu.memory_space<vmem>>, %arg3: memref<1x256xf32, #tpu.memory_space<vmem>>, %arg4: memref<240x256xf32, #tpu.memory_space<vmem>>) attributes {dimension_semantics = [#tpu.dimension_semantics<arbitrary>], iteration_bounds = array<i64: 64>, scalar_prefetch = 0 : i64, scratch_operands = 0 : i64, tpu.core_type = #tpu.core_type<tc>, window_params = [{pipeline_mode = #tpu.pipeline_mode<synchronous>, transform_indices = @transform_0, window_bounds = array<i64: 240, 256>}, {pipeline_mode = #tpu.pipeline_mode<synchronous>, transform_indices = @transform_1, window_bounds = array<i64: 256, 256>}, {pipeline_mode = #tpu.pipeline_mode<synchronous>, transform_indices = @transform_2, window_bounds = array<i64: 1, 256>}, {transform_indices = @transform_3, window_bounds = array<i64: 240, 256>}]} {
    %get3A = arith.constant 0 : index
    %get3A_0 = arith.constant 0 : index
    %get3A_1 = vector.load %arg1[%get3A, %get3A_0] : memref<240x256xf32, #tpu.memory_space<vmem>>, vector<240x256xf32>
    %get3A_2 = arith.constant 0 : index
    %get3A_3 = arith.constant 0 : index
    %get3A_4 = vector.load %arg2[%get3A_2, %get3A_3] : memref<256x256xf32, #tpu.memory_space<vmem>>, vector<256x256xf32>
    %dot_general3A = arith.constant dense<0.000000e+00> : vector<240x256xf32>
    %dot_general3A_5 = tpu.matmul %get3A_1, %get3A_4, %dot_general3A {dimension_numbers = #tpu.dot_dimension_numbers<[1], [0], [0], [1], [0, 0, 1, 1], [], []>, transpose_lhs_hint = false} : vector<240x256xf32>, vector<256x256xf32>, vector<240x256xf32> -> vector<240x256xf32>
    %get3A_6 = arith.constant 0 : index
    %get3A_7 = arith.constant 0 : index
    %get3A_8 = vector.load %arg3[%get3A_6, %get3A_7] : memref<1x256xf32, #tpu.memory_space<vmem>>, vector<1x256xf32>
    %add3A = vector.broadcast %get3A_8 : vector<1x256xf32> to vector<240x256xf32>
    %add3A_9 = arith.addf %dot_general3A_5, %add3A : vector<240x256xf32>
    %swap3A = arith.constant 0 : index
    %swap3A_10 = arith.constant 0 : index
    %swap3A_11 = vector.load %arg4[%swap3A, %swap3A_10] : memref<240x256xf32, #tpu.memory_space<vmem>>, vector<240x256xf32>
    tpu.vector_store %arg4[%swap3A, %swap3A_10], %add3A_9 {strides = array<i32>} : memref<240x256xf32, #tpu.memory_space<vmem>>, vector<240x256xf32>,
    return
  }
  func.func @transform_0(%arg0: i32) -> (i32, i32) {
    %c0_i32 = arith.constant 0 : i32
    %c0_i32_0 = arith.constant 0 : i32
    %c0_i32_1 = arith.constant 0 : i32
    return %c0_i32, %c0_i32_0 : i32, i32
  }
  func.func @transform_1(%arg0: i32) -> (i32, i32) {
    %c0_i32 = arith.constant 0 : i32
    %c0_i32_0 = arith.constant 0 : i32
    %c0_i32_1 = arith.constant 0 : i32
    return %c0_i32, %c0_i32_0 : i32, i32
  }
  func.func @transform_2(%arg0: i32) -> (i32, i32) {
    %c0_i32 = arith.constant 0 : i32
    %c0_i32_0 = arith.constant 0 : i32
    %c0_i32_1 = arith.constant 0 : i32
    return %c0_i32, %c0_i32_0 : i32, i32
  }
  func.func @transform_3(%arg0: i32) -> (i32, i32) {
    %c0_i32 = arith.constant 0 : i32
    %c0_i32_0 = arith.constant 0 : i32
    return %arg0, %c0_i32 : i32, i32
  }
}

</mosaic_0001>

<sc_bundles>
// kernel: kernel.4.cloned.1.call-start
scs
__scs_entry_jumppad:
0x0: {  	(pc) =	sbr.rel $0x88, $3  }
0x1: {  	(tag) =	ssettag $0x0;
	lr =	simm.s32 $0x1  }
0x2: {  	[smem:$0x3F9E] =	sst lr;
	_ =	strace $0xD0000000  }
0x3: {  	_ = 	snop  }
0x4: {  	_ = 	snop  }
0x5: {  	_ = 	snop  }
0x6: {  	_ = 	snop  }
0x7: {  	_ = 	snop  }
__scs_overlays_trampoline_lowered:
0x8: {  	[smem:$0x3FAD] =	sst s0  }
0x9: {  	[smem:$0x3FAE] =	sst s1  }
0xa: {  	[smem:$0x3FAF] =	sst s2  }
0xb: {  	[smem:$0x3FB0] =	sst s3  }
0xc: {  	[smem:$0x3FB1] =	sst s4  }
0xd: {  	[smem:$0x3FB2] =	sst s5  }
0xe: {  	[smem:$0x3FB3] =	sst s6  }
0xf: {  	[smem:$0x3FB4] =	sst s7  }
0x10: {  	[smem:$0x3FB5] =	sst s8  }
0x11: {  	[smem:$0x3FB6] =	sst s9;
	s0 =	simm.s32 @!p0 $0x0  }
0x12: {  	s1 =	sld [smem:$0x3F9C];
	s0 =	simm.s32 @p0 $0x1  }
0x13: {  	[smem:$0x3FB7] =	sst s0;
	s0 =	simm.s32 @!p1 $0x0  }
0x14: {  	s2 =	sld [smem:$0x3F9B];
	s0 =	simm.s32 @p1 $0x1  }
0x15: {  	[smem:$0x3FB8] =	sst s0;
	s0 =	simm.s32 @!p2 $0x0  }
0x16: {  	s3 =	sld [smem:$0x3FDB];
	s0 =	simm.s32 @p2 $0x1  }
0x17: {  	s4 =	simm.s32 $0x1BF5;
	[smem:$0x3FBA] =	sst s0  }
0x18: {  	s0 =	sld [smem:$0x3F9D];
	_ =	swait.ge [sflag:s4], $0x0  }
0x19: {  	s7 =	sld [smem:$0x3F9E]  }
0x1a: {  	s8 =	sadd.s32 $0xFFFFE003, lr  }
0x1b: {  	s9 =	sadd.s32 $0xFFFFFEF7, lr;
	s5 =	simm.s32 $0xFFFFFFFF;
	p2 =	slt.u32 s8, $0xFFFFF086  }
0x1c: {  	p1 =	slt.u32 s9, $0xF7A;
	s5 =	simm.s32 @!p2 $0x0  }
0x1d: {  	s5 =	simm.s32 @p1 $0x1;
	p0 =	seq.s32 s7, s2  }
0x1e: {  	s7 =	smul.u32 @!p0 $0xF7A, s2;
	p2 =	seq.s32 @!p0 s5, $0x0  }
0x1f: {  	s9 =	smul.u32 $0xF7A, s1;
	s8 =	simm.s32 @!p0 $0x1BF5;
	p2 =	por !p2, p0  }
0x20: {  	[sflag:s8] =	ssyncset.s32 @!p0 $0xFFFFF086;
	s6 =	sadd.s32 @!p0 s3, s7;
	s7 =	simm.s32 @!p0 $0x108  }
0x21: {  	s3 =	sadd.s32 s3, s9;
	s6 =	sadd.s32 @!p0 $0x88, s6;
	s7 =	simm.s32 @p2 $0x1082  }
0x22: {  	[simem:s7], [sflag:s8] =	dma.local @!p0 [hbm:s6], $0xF7A  }
0x23: {  	s9 =	sor.u32 $0xD0000000, s2;
	s6 =	simm.s32 $0x108;
	_ =	swait.ge @!p0 [sflag:s8], $0x0  }
0x24: {  	s3 =	sadd.s32 $0x88, s3;
	s6 =	simm.s32 @!p1 $0x1082;
	[sflag:s4] =	ssyncset.s32 $0xFFFFF086  }
0x25: {  	[simem:s6], [sflag:s4] =	dma.local [hbm:s3], $0xF7A  }
0x26: {  	[smem:$0x3F9E] =	sst s1;
	(tag) =	ssettag s2;
	_ =	strace s9  }
0x27: {  	s1 =	sld [smem:$0x3FAE]  }
0x28: {  	s2 =	sld [smem:$0x3FAF]  }
0x29: {  	s4 =	sld [smem:$0x3FB1]  }
0x2a: {  	p0 =	seq.s32 s5, $0x0;
	s5 =	sld [smem:$0x3FB2]  }
0x2b: {  	s6 =	sld [smem:$0x3FB3]  }
0x2c: {  	s7 =	sld [smem:$0x3FB4]  }
0x2d: {  	s3 =	simm.s32 $0x108;
	s8 =	sld [smem:$0x3FB5]  }
0x2e: {  	s3 =	simm.s32 @!p0 $0x1082;
	s9 =	sld [smem:$0x3FB6]  }
0x2f: {  	lr =	sadd.s32 s0, s3;
	s0 =	sld [smem:$0x3FAD]  }
0x30: {  	s3 =	sld [smem:$0x3FB0]  }
0x31: {  	[smem:$0x3FB9] =	sst s10  }
0x32: {  	s10 =	sld [smem:$0x3FB7];
	_ =	sdelay $0x3  }
0x33: {  	p0 =	seq.s32 s10, $0x1;
	s10 =	sld [smem:$0x3FB9];
	_ =	sdelay $0x3  }
0x34: {  	[smem:$0x3FB9] =	sst s10  }
0x35: {  	s10 =	sld [smem:$0x3FB8];
	_ =	sdelay $0x3  }
0x36: {  	p1 =	seq.s32 s10, $0x1;
	s10 =	sld [smem:$0x3FB9];
	_ =	sdelay $0x3  }
0x37: {  	[smem:$0x3FB9] =	sst s10  }
0x38: {  	s10 =	sld [smem:$0x3FBA]  }
0x39: {  	_ = 	snop;
	(pc) =	sbr.ind lr, $3  }
0x3a: {  	_ = 	snop  }
0x3b: {  	_ = 	snop  }
0x3c: {  	p2 =	seq.s32 s10, $0x1;
	s10 =	sld [smem:$0x3FB9]  }
0x3d: {  	_ =	shalt  }
0x3e: {  	_ =	shalt  }
0x3f: {  	_ =	shalt  }
0x40: {  	_ =	shalt  }
0x41: {  	_ =	shalt  }
0x42: {  	_ =	shalt  }
0x43: {  	_ =	shalt  }
0x44: {  	_ =	shalt  }
0x45: {  	_ =	shalt  }
0x46: {  	_ =	shalt  }
0x47: {  	_ =	shalt  }
0x48: {  	_ =	shalt  }
0x49: {  	_ =	shalt  }
0x4a: {  	_ =	shalt  }
0x4b: {  	_ =	shalt  }
0x4c: {  	_ =	shalt  }
0x4d: {  	_ =	shalt  }
0x4e: {  	_ =	shalt  }
0x4f: {  	_ =	shalt  }
0x50: {  	_ =	shalt  }
0x51: {  	_ =	shalt  }
0x52: {  	_ =	shalt  }
0x53: {  	_ =	shalt  }
0x54: {  	_ =	shalt  }
0x55: {  	_ =	shalt  }
0x56: {  	_ =	shalt  }
0x57: {  	_ =	shalt  }
0x58: {  	_ =	shalt  }
0x59: {  	_ =	shalt  }
0x5a: {  	_ =	shalt  }
0x5b: {  	_ =	shalt  }
0x5c: {  	_ =	shalt  }
0x5d: {  	_ =	shalt  }
0x5e: {  	_ =	shalt  }
0x5f: {  	_ =	shalt  }
0x60: {  	_ =	shalt  }
0x61: {  	_ =	shalt  }
0x62: {  	_ =	shalt  }
0x63: {  	_ =	shalt  }
0x64: {  	_ =	shalt  }
0x65: {  	_ =	shalt  }
0x66: {  	_ =	shalt  }
0x67: {  	_ =	shalt  }
0x68: {  	_ =	shalt  }
0x69: {  	_ =	shalt  }
0x6a: {  	_ =	shalt  }
0x6b: {  	_ =	shalt  }
0x6c: {  	_ =	shalt  }
0x6d: {  	_ =	shalt  }
0x6e: {  	_ =	shalt  }
0x6f: {  	_ =	shalt  }
0x70: {  	_ =	shalt  }
0x71: {  	_ =	shalt  }
0x72: {  	_ =	shalt  }
0x73: {  	_ =	shalt  }
0x74: {  	_ =	shalt  }
0x75: {  	_ =	shalt  }
0x76: {  	_ =	shalt  }
0x77: {  	_ =	shalt  }
0x78: {  	_ =	shalt  }
0x79: {  	_ =	shalt  }
0x7a: {  	_ =	shalt  }
0x7b: {  	_ =	shalt  }
0x7c: {  	_ =	shalt  }
0x7d: {  	_ =	shalt  }
0x7e: {  	_ =	shalt  }
0x7f: {  	_ =	shalt  }
0x80: {  	_ =	shalt  }
0x81: {  	_ =	shalt  }
0x82: {  	_ =	shalt  }
0x83: {  	_ =	shalt  }
0x84: {  	_ =	shalt  }
0x85: {  	_ =	shalt  }
0x86: {  	_ =	shalt  }
0x87: {  	_ =	shalt  }
.Lfunc_end0:
.L_simem_size_0:
called_computation_lowered:
.L_overlay_start_0:
0x88: {  	s2 =	sld [smem:$0x3FD9]  }
0x89: {  	s3 =	sld [smem:$0x3FFE];
	_ =	sdelay $0x1  }
0x8a: {  	s1 =	srdreg.scid  }
0x8b: {  	s0 =	sand.u32 $0x1, s1  }
0x8c: {  	s17 =	sshll.u32 s0, $0xA;
	s2 =	sadd.s32 s3, s2  }
0x8d: {  	s2 =	sadd.s32 s2, s17  }
0x8e: {  	[smem:$0x3FC5] =	sst s2  }
0x8f: {  	_ = 	snop  }
0x90: {  	s2 =	sld [smem:$0x3FD0];
	(tm) =	ssettm $0x1  }
0x91: {  	s18 =	sld [smem:$0x3FFB];
	_ =	sdelay $0x3  }
0x92: {  	_ =	strace s18  }
0x93: {  	s3 =	sld [smem:$0x3FFC];
	_ =	sdelay $0x3  }
0x94: {  	_ =	strace s3  }
0x95: {  	s3 =	sld [smem:$0x3FFD];
	_ =	sdelay $0x3  }
0x96: {  	_ =	strace s3  }
0x97: {  	_ =	strace $0x8FFFFFFF  }
0x98: {  	s19 =	sld [smem:$0x3FDB];
	_ =	sdelay $0x1  }
0x99: {  	s4 =	simm.s32 $_scs_section_size  }
0x9a: {  	s5 =	simm.s32 $_size__tile_overlayer_lowered;
	s6 =	simm.s32 $_tile_overlayer_lowered  }
0x9b: {  	s22 =	simm.s32 $0x1BFF;
	s21 =	sshll.u32 s6, $0x1;
	s3 =	sadd.s32 s4, s19  }
0x9c: {  	s7 =	simm.s32 $0x0;
	s20 =	sshll.u32 s5, $0x1;
	s5 =	sadd.s32 s21, s3  }
0x9d: {  	[timem:s7], [sflag:s22] =	dma.local [hbm:s5], s20  }
0x9e: {  	_ =	swait.ge [sflag:s22], s20  }
0x9f: {  	s4 =	ssub.s32 $0x0, s20;
	[sflag:s22] =	ssyncset.done $0x0  }
0xa0: {  	[sflag:s22] =	ssyncadd.s32 s4;
	_ =	sdelay $0x1  }
0xa1: {  	s23 =	simm.s32 $0x1B8B  }
0xa2: {  	_ =	swait.ge [sflag:s23], $0x1  }
0xa3: {  	[sflag:s23] =	ssyncset.done $0x0  }
0xa4: {  	s25 =	simm.s32 $0x1B8E;
	s24 =	sld [smem:$0x3FFE];
	[sflag:s23] =	ssyncadd.s32 $0xFFFFFFFF  }
0xa5: {  	s26 =	simm.s32 $execute0_lowered;
	[smem:$0x3FD2] =	sst s25  }
0xa6: {  	s5 =	sshll.u32 s26, $0x1;
	_ =	strace $0x80000046;
	[dreg:$0x1] =	wrdreg $0xFFFFFFFF  }
0xa7: {  	s28 =	simm.s32 $_size_execute0_lowered;
	s3 =	sadd.s32 s3, s5;
	[dreg:$0x0] =	wrdreg $0x0  }
0xa8: {  	s5 =	sshll.u32 s28, $0x1;
	[dreg:$0x2] =	wrdreg s3  }
0xa9: {  	[dreg:$0x3] =	wrdreg s5  }
0xaa: {  	[dreg:$0x4] =	wrdreg $0xC0  }
0xab: {  	_ =	task [dreg:s7], $0x5FFFF  }
0xac: {  	[dreg:$0x1] =	wrdreg $0xFFFFFFFF  }
0xad: {  	[dreg:$0x0] =	wrdreg $0x60  }
0xae: {  	[dreg:$0x2] =	wrdreg s24  }
0xaf: {  	[dreg:$0x3] =	wrdreg s2  }
0xb0: {  	[dreg:$0x4] =	wrdreg $0x9  }
0xb1: {  	_ =	task.clear_ibuf [dreg:s7], $0x5FFFF;
	_ =	strace $0x90000046  }
0xb2: {  	s29 =	simm.s32 $0x9;
	_ =	strace $0x80000048  }
0xb3: {  	_ =	swait.ge [sflag:s29], $0x1  }
0xb4: {  	[sflag:s29] =	ssyncadd.s32 $0xFFFFFFFF  }
0xb5: {  	_ =	strace $0x90000048  }
0xb6: {  	_ =	sfence  }
0xb7: {  	s30 =	sld [smem:$0x0];
	_ =	sdelay $0x2  }
0xb8: {  	s31 =	sshll.u32 s1, $0xD;
	s1 =	sshrl.u32 s1, $0x2  }
0xb9: {  	s3 =	sand.u32 $0x4000, s31;
	s1 =	sadd.s32 s1, s30  }
0xba: {  	s0 =	sor.u32 s3, s0;
	s1 =	sshll.u32 s1, $0x11  }
0xbb: {  	s0 =	sor.u32 s1, s0  }
0xbc: {  	s0 =	sadd.s32 $0x8F2B, s0  }
0xbd: {  	[sflag:s0] =	ssyncadd.remote.s32 $0x1  }
0xbe: {  	_ =	sfence.sel $0xFFFF  }
0xbf: {  	[dreg:$0x0] =	wrdreg $0xFFFFFFFF;
	(pc) =	sbr.abs _section_cstart, $3  }
0xc0: {  	[dreg:$0x1] =	wrdreg $0xFFFFFFFF  }
0xc1: {  	_ =	task.clear_ibuf [dreg:s7], $0x2FFFF;
	_ =	strace $0x9FFFFFFF  }
0xc2: {  	(tm) =	ssettm $0x7FFFFFFF  }
0xc3: {  	_ =	shalt  }
tec
execute0_lowered:
.L_overlay_start_1:
0x0: {  	(tag) =	ssettag $0x1  }
0x1: {  	s0 =	srdreg.scid  }
0x2: {  	s8 =	stileid.u32;
	s1 =	rddreg [dreg:$0x0]  }
0x3: {  	s4 =	rddreg [dreg:$0x1];
	s10 =	simm.s32 $0x1C00;
	s9 =	simm.s32 $0xF400  }
0x4: {  	s11 =	simm.s32 $0xFC00;
	s12 =	simm.s32 $0x10400;
	s13 =	simm.s32 $0x10C00  }
0x5: {  	s14 =	simm.s32 $0x11400;
	s15 =	simm.s32 $0x11C00;
	s17 =	simm.s32 $0x16C00  }
0x6: {  	s18 =	simm.s32 $0x18400;
	s19 =	simm.s32 $0x18C00;
	s28 =	simm.s32 $0x19400  }
0x7: {  	s20 =	simm.s32 $0x1;
	s29 =	simm.s32 $0x4;
	s30 =	simm.s32 $0x5  }
0x8: {  	s0 =	sand.u32 $0x1, s0;
	s2 =	sshll.u32 s8, $0x1;
	s22 =	smul.u32 $0x64000, s8  }
0x9: {  	s3 =	sor.u32 s0, s2;
	s7 =	ssub.s32 $0x2, s0;
	s0 =	smul.u32 $0x32000, s0  }
0xa: {  	s31 =	simm.s32 $0x6;
	s2 =	simm.s32 $0x0;
	s5 =	smul.u32 $0x380, s3  }
0xb: {  	[smem:$0x7FF] =	sst s2;
	s6 =	smul.u32 $0x190000, s3;
	s3 =	sadd.s32 $0x7800, s1  }
0xc: {  	s21 =	sshrl.u32 s7, $0x1;
	s26 =	sadd.s32 s22, s4;
	s22 =	simm.s32 $0x3  }
0xd: {  	_ =	strace $0x80000047;
	s8 =	sadd.s32 s0, s26;
	s26 =	simm.s32 $0x9C00  }
0xe: {  	s1 =	sadd.s32 s5, s1;
	s6 =	sshrl.u32 s6, $0x3;
	s5 =	ssub.s32 s7, s21  }
0xf: {  	s7 =	simm.s32 $0xEC00;
	s21 =	simm.s32 $0x2;
	s6 =	sadd.s32 s4, s6  }
.Ltmp0:
0x10: {  	s1 =	sadd.s32 $0x800, s1;
	s25 =	smax.u32 s5, $0x1;
	(pc) =	sbr.rel .LBB2_1-.Ltmp0, $4  }
0x11: {  	s4 =	simm.s32 $0xD400;
	s5 =	simm.s32 $0xDC00;
	[dreg:$0x3] =	wrdreg s1  }
0x12: {  	v2 =	vlaneseq.u32;
	s23 =	sadd.s32 $0x30000, s6;
	s24 =	sadd.s32 $0x31000, s6;
	[dreg:$0x6] =	wrdreg s25  }
0x13: {  	vm0 =	vmmov $0xffff;
	v1 =	vshrl.u32 v2, $0x3;
	s6 =	simm.s32 $0xE400;
	s25 =	simm.s32 $0x17C00;
	[dreg:$0x4] =	wrdreg s23  }
0x14: {  	v0 =	vand.u32 $0x7, v2;
	v2 =	vor.u32 $0x8, v2;
	v1 =	vmul.u32 $0x8, v1;
	s1 =	simm.s32 $0x0;
	[dreg:$0x5] =	wrdreg s24;
	s24 =	simm.s32 $0x17400  }
.LBB2_4:
0x15: {  	_ =	swait.ge [sflag:s20], $0x8000  }
0x16: {  	[sflag:s20] =	ssyncset.done $0x0  }
0x17: {  	s0 =	rddreg [dreg:$0x4];
	[sflag:s20] =	ssyncadd.s32 $0xFFFF8000  }
0x18: {  	[hbm4b:s0+s2] =	stream.linear.scatter [tilespmem:s10], [sflag:$0x4], $0x8000, $0x38;
	[tilespmem:$0x19C00] =	vst v63  }
0x19: {  	_ =	swait.ge [sflag:s21], $0x8000  }
0x1a: {  	[sflag:s21] =	ssyncset.done $0x0  }
0x1b: {  	s16 =	rddreg [dreg:$0x5];
	[sflag:s21] =	ssyncadd.s32 $0xFFFF8000  }
0x1c: {  	[hbm4b:s16+s2] =	stream.linear.scatter [tilespmem:s26], [sflag:$0x5], $0x8000, $0x38;
	[tilespmem:$0x19C00] =	vst v63  }
0x1d: {  	_ =	swait.ge [sflag:s31], $0x8000  }
0x1e: {  	[sflag:s31] =	ssyncset.done $0x0  }
0x1f: {  	[sflag:s31] =	ssyncadd.s32 $0xFFFF8000  }
0x20: {  	_ =	swait.ge [sflag:s29], $0x8000  }
0x21: {  	[sflag:s29] =	ssyncset.done $0x0  }
0x22: {  	[sflag:s29] =	ssyncadd.s32 $0xFFFF8000  }
0x23: {  	_ =	swait.ge [sflag:s30], $0x8000  }
0x24: {  	s1 =	rddreg [dreg:$0x7]  }
0x25: {  	s23 =	rddreg [dreg:$0x6];
	s1 =	sadd.s32 $0x1, s1  }
0x26: {  	p0 =	sne.s32 s1, s23  }
.Ltmp1:
0x27: {  	_ = 	snop;
	(pc) =	sbr.rel @!p0 .LBB2_5-.Ltmp1, $3  }
0x28: {  	_ =	sdelay $0x1  }
0x29: {  	[sflag:s30] =	ssyncset.done $0x0  }
0x2a: {  	[sflag:s30] =	ssyncadd.s32 $0xFFFF8000  }
.LBB2_1:
0x2b: {  	[dreg:$0x7] =	wrdreg s1  }
0x2c: {  	s0 =	rddreg [dreg:$0x3];
	s23 =	simm.s32 $0x7  }
0x2d: {  	[tilespmem:s2], [sflag:$0x7] =	stream.linear.gather [hbm4b:s0+s2], $0x1900, $0x38;
	[tilespmem:$0x19C00] =	vst v63  }
0x2e: {  	_ =	swait.ge [sflag:s23], $0x1900  }
0x2f: {  	[sflag:s23] =	ssyncset.done $0x0  }
0x30: {  	[sflag:s23] =	ssyncadd.s32 $0xFFFFE700  }
0x31: {  	v3 =	vld [tilespmem:$0x0];
	_ =	sdelay $0x4  }
0x32: {  	v4 =	vshll.u32 v3, $0x1  }
0x33: {  	v3 =	vand.u32 $0x7, v3;
	v4 =	vand.u32 $0xFFFFFFF0, v4  }
0x34: {  	v3 =	vor.u32 v3, v4  }
0x35: {  	v4 =	vperm.xlane v3, v0;
	_ =	sdelay $0x1  }
0x36: {  	v3 =	vperm.xlane v3, v2;
	v4 =	vadd.s32 v1, v4;
	_ =	sdelay $0x1  }
0x37: {  	v3 =	vadd.s32 v1, v3;
	_ =	sdelay $0x2  }
0x38: {  	[tilespmem:s10], [sflag:$0x1] =	stream.indirect_vreg.gather [hbm4b:s3+s2], $0x80, v4, vm0, $0xb8;
	[tilespmem:$0x19C00] =	vst v63  }
0x39: {  	s1 =	simm.s32 $0x2400  }
0x3a: {  	[tilespmem:s1], [sflag:$0x1] =	stream.indirect_vreg.gather [hbm4b:s3+s2], $0x80, v3, vm0, $0xb8;
	[tilespmem:$0x19C00] =	vst v63  }
0x3b: {  	v3 =	vld [tilespmem:$0x10];
	_ =	sdelay $0x4  }
0x3c: {  	v41 =	vshll.u32 v3, $0x1  }
0x3d: {  	v3 =	vand.u32 $0x7, v3;
	v4 =	vand.u32 $0xFFFFFFF0, v41  }
0x3e: {  	v3 =	vor.u32 v3, v4  }
0x3f: {  	v4 =	vperm.xlane v3, v0;
	_ =	sdelay $0x1  }
0x40: {  	v3 =	vperm.xlane v3, v2;
	v4 =	vadd.s32 v1, v4;
	_ =	sdelay $0x1  }
0x41: {  	v3 =	vadd.s32 v1, v3;
	_ =	sdelay $0x1  }
0x42: {  	s16 =	simm.s32 $0x2C00  }
0x43: {  	[tilespmem:s16], [sflag:$0x1] =	stream.indirect_vreg.gather [hbm4b:s3+s2], $0x80, v4, vm0, $0xb8;
	[tilespmem:$0x19C00] =	vst v63  }
0x44: {  	s23 =	simm.s32 $0x3400  }
0x45: {  	[tilespmem:s23], [sflag:$0x1] =	stream.indirect_vreg.gather [hbm4b:s3+s2], $0x80, v3, vm0, $0xb8;
	[tilespmem:$0x19C00] =	vst v63  }
0x46: {  	v3 =	vld [tilespmem:$0x20];
	_ =	sdelay $0x4  }
0x47: {  	v42 =	vshll.u32 v3, $0x1  }
0x48: {  	v3 =	vand.u32 $0x7, v3;
	v4 =	vand.u32 $0xFFFFFFF0, v42  }
0x49: {  	v3 =	vor.u32 v3, v4  }
0x4a: {  	v4 =	vperm.xlane v3, v0;
	_ =	sdelay $0x1  }
0x4b: {  	v3 =	vperm.xlane v3, v2;
	v4 =	vadd.s32 v1, v4;
	_ =	sdelay $0x1  }
0x4c: {  	v3 =	vadd.s32 v1, v3;
	_ =	sdelay $0x1  }
0x4d: {  	s1 =	simm.s32 $0x3C00  }
0x4e: {  	[tilespmem:s1], [sflag:$0x1] =	stream.indirect_vreg.gather [hbm4b:s3+s2], $0x80, v4, vm0, $0xb8;
	[tilespmem:$0x19C00] =	vst v63  }
0x4f: {  	s16 =	simm.s32 $0x4400  }
0x50: {  	[tilespmem:s16], [sflag:$0x1] =	stream.indirect_vreg.gather [hbm4b:s3+s2], $0x80, v3, vm0, $0xb8;
	[tilespmem:$0x19C00] =	vst v63  }
0x51: {  	v3 =	vld [tilespmem:$0x30];
	_ =	sdelay $0x4  }
0x52: {  	v43 =	vshll.u32 v3, $0x1  }
0x53: {  	v3 =	vand.u32 $0x7, v3;
	v4 =	vand.u32 $0xFFFFFFF0, v43  }
0x54: {  	v3 =	vor.u32 v3, v4  }
0x55: {  	v4 =	vperm.xlane v3, v0;
	_ =	sdelay $0x1  }
0x56: {  	v3 =	vperm.xlane v3, v2;
	v4 =	vadd.s32 v1, v4;
	_ =	sdelay $0x1  }
0x57: {  	v3 =	vadd.s32 v1, v3;
	_ =	sdelay $0x1  }
0x58: {  	s23 =	simm.s32 $0x4C00  }
0x59: {  	[tilespmem:s23], [sflag:$0x1] =	stream.indirect_vreg.gather [hbm4b:s3+s2], $0x80, v4, vm0, $0xb8;
	[tilespmem:$0x19C00] =	vst v63  }
0x5a: {  	s1 =	simm.s32 $0x5400  }
0x5b: {  	[tilespmem:s1], [sflag:$0x1] =	stream.indirect_vreg.gather [hbm4b:s3+s2], $0x80, v3, vm0, $0xb8;
	[tilespmem:$0x19C00] =	vst v63  }
0x5c: {  	v3 =	vld [tilespmem:$0x40];
	_ =	sdelay $0x4  }
0x5d: {  	v44 =	vshll.u32 v3, $0x1  }
0x5e: {  	v3 =	vand.u32 $0x7, v3;
	v4 =	vand.u32 $0xFFFFFFF0, v44  }
0x5f: {  	v3 =	vor.u32 v3, v4  }
0x60: {  	v4 =	vperm.xlane v3, v0;
	_ =	sdelay $0x1  }
0x61: {  	v3 =	vperm.xlane v3, v2;
	v4 =	vadd.s32 v1, v4;
	_ =	sdelay $0x1  }
0x62: {  	v3 =	vadd.s32 v1, v3;
	_ =	sdelay $0x1  }
0x63: {  	s16 =	simm.s32 $0x5C00  }
0x64: {  	[tilespmem:s16], [sflag:$0x1] =	stream.indirect_vreg.gather [hbm4b:s3+s2], $0x80, v4, vm0, $0xb8;
	[tilespmem:$0x19C00] =	vst v63  }
0x65: {  	s23 =	simm.s32 $0x6400  }
0x66: {  	[tilespmem:s23], [sflag:$0x1] =	stream.indirect_vreg.gather [hbm4b:s3+s2], $0x80, v3, vm0, $0xb8;
	[tilespmem:$0x19C00] =	vst v63  }
0x67: {  	v3 =	vld [tilespmem:$0x50];
	_ =	sdelay $0x4  }
0x68: {  	v45 =	vshll.u32 v3, $0x1  }
0x69: {  	v3 =	vand.u32 $0x7, v3;
	v4 =	vand.u32 $0xFFFFFFF0, v45  }
0x6a: {  	v3 =	vor.u32 v3, v4  }
0x6b: {  	v4 =	vperm.xlane v3, v0;
	_ =	sdelay $0x1  }
0x6c: {  	v3 =	vperm.xlane v3, v2;
	v4 =	vadd.s32 v1, v4;
	_ =	sdelay $0x1  }
0x6d: {  	v3 =	vadd.s32 v1, v3;
	_ =	sdelay $0x1  }
0x6e: {  	s1 =	simm.s32 $0x6C00  }
0x6f: {  	[tilespmem:s1], [sflag:$0x1] =	stream.indirect_vreg.gather [hbm4b:s3+s2], $0x80, v4, vm0, $0xb8;
	[tilespmem:$0x19C00] =	vst v63  }
0x70: {  	s16 =	simm.s32 $0x7400  }
0x71: {  	[tilespmem:s16], [sflag:$0x1] =	stream.indirect_vreg.gather [hbm4b:s3+s2], $0x80, v3, vm0, $0xb8;
	[tilespmem:$0x19C00] =	vst v63  }
0x72: {  	v3 =	vld [tilespmem:$0x60];
	_ =	sdelay $0x4  }
0x73: {  	v46 =	vshll.u32 v3, $0x1  }
0x74: {  	v3 =	vand.u32 $0x7, v3;
	v4 =	vand.u32 $0xFFFFFFF0, v46  }
0x75: {  	v3 =	vor.u32 v3, v4  }
0x76: {  	v4 =	vperm.xlane v3, v0;
	_ =	sdelay $0x1  }
0x77: {  	v3 =	vperm.xlane v3, v2;
	v4 =	vadd.s32 v1, v4;
	_ =	sdelay $0x1  }
0x78: {  	v3 =	vadd.s32 v1, v3;
	_ =	sdelay $0x1  }
0x79: {  	s23 =	simm.s32 $0x7C00  }
0x7a: {  	[tilespmem:s23], [sflag:$0x1] =	stream.indirect_vreg.gather [hbm4b:s3+s2], $0x80, v4, vm0, $0xb8;
	[tilespmem:$0x19C00] =	vst v63  }
0x7b: {  	s1 =	simm.s32 $0x8400  }
0x7c: {  	[tilespmem:s1], [sflag:$0x1] =	stream.indirect_vreg.gather [hbm4b:s3+s2], $0x80, v3, vm0, $0xb8;
	[tilespmem:$0x19C00] =	vst v63  }
0x7d: {  	v3 =	vld [tilespmem:$0x70];
	_ =	sdelay $0x4  }
0x7e: {  	v47 =	vshll.u32 v3, $0x1  }
0x7f: {  	v3 =	vand.u32 $0x7, v3;
	v4 =	vand.u32 $0xFFFFFFF0, v47  }
0x80: {  	v3 =	vor.u32 v3, v4  }
0x81: {  	v4 =	vperm.xlane v3, v0;
	_ =	sdelay $0x1  }
0x82: {  	v3 =	vperm.xlane v3, v2;
	v4 =	vadd.s32 v1, v4;
	_ =	sdelay $0x1  }
0x83: {  	v3 =	vadd.s32 v1, v3;
	_ =	sdelay $0x1  }
0x84: {  	s16 =	simm.s32 $0x8C00  }
0x85: {  	[tilespmem:s16], [sflag:$0x1] =	stream.indirect_vreg.gather [hbm4b:s3+s2], $0x80, v4, vm0, $0xb8;
	[tilespmem:$0x19C00] =	vst v63  }
0x86: {  	s23 =	simm.s32 $0x9400  }
0x87: {  	[tilespmem:s23], [sflag:$0x1] =	stream.indirect_vreg.gather [hbm4b:s3+s2], $0x80, v3, vm0, $0xb8;
	[tilespmem:$0x19C00] =	vst v63  }
0x88: {  	v3 =	vld [tilespmem:$0x80];
	_ =	sdelay $0x4  }
0x89: {  	v48 =	vshll.u32 v3, $0x1  }
0x8a: {  	v3 =	vand.u32 $0x7, v3;
	v4 =	vand.u32 $0xFFFFFFF0, v48  }
0x8b: {  	v3 =	vor.u32 v3, v4  }
0x8c: {  	v4 =	vperm.xlane v3, v0;
	_ =	sdelay $0x1  }
0x8d: {  	v3 =	vperm.xlane v3, v2;
	v4 =	vadd.s32 v1, v4;
	_ =	sdelay $0x1  }
0x8e: {  	v3 =	vadd.s32 v1, v3;
	_ =	sdelay $0x2  }
0x8f: {  	[tilespmem:s26], [sflag:$0x2] =	stream.indirect_vreg.gather [hbm4b:s3+s2], $0x80, v4, vm0, $0xb8;
	[tilespmem:$0x19C00] =	vst v63  }
0x90: {  	s1 =	simm.s32 $0xA400  }
0x91: {  	[tilespmem:s1], [sflag:$0x2] =	stream.indirect_vreg.gather [hbm4b:s3+s2], $0x80, v3, vm0, $0xb8;
	[tilespmem:$0x19C00] =	vst v63  }
0x92: {  	v3 =	vld [tilespmem:$0x90];
	_ =	sdelay $0x4  }
0x93: {  	v49 =	vshll.u32 v3, $0x1  }
0x94: {  	v3 =	vand.u32 $0x7, v3;
	v4 =	vand.u32 $0xFFFFFFF0, v49  }
0x95: {  	v3 =	vor.u32 v3, v4  }
0x96: {  	v4 =	vperm.xlane v3, v0;
	_ =	sdelay $0x1  }
0x97: {  	v3 =	vperm.xlane v3, v2;
	v4 =	vadd.s32 v1, v4;
	_ =	sdelay $0x1  }
0x98: {  	v3 =	vadd.s32 v1, v3;
	_ =	sdelay $0x1  }
0x99: {  	s16 =	simm.s32 $0xAC00  }
0x9a: {  	[tilespmem:s16], [sflag:$0x2] =	stream.indirect_vreg.gather [hbm4b:s3+s2], $0x80, v4, vm0, $0xb8;
	[tilespmem:$0x19C00] =	vst v63  }
0x9b: {  	s23 =	simm.s32 $0xB400  }
0x9c: {  	[tilespmem:s23], [sflag:$0x2] =	stream.indirect_vreg.gather [hbm4b:s3+s2], $0x80, v3, vm0, $0xb8;
	[tilespmem:$0x19C00] =	vst v63  }
0x9d: {  	v3 =	vld [tilespmem:$0xA0];
	_ =	sdelay $0x4  }
0x9e: {  	v50 =	vshll.u32 v3, $0x1  }
0x9f: {  	v3 =	vand.u32 $0x7, v3;
	v4 =	vand.u32 $0xFFFFFFF0, v50  }
0xa0: {  	v3 =	vor.u32 v3, v4  }
0xa1: {  	v4 =	vperm.xlane v3, v0;
	_ =	sdelay $0x1  }
0xa2: {  	v3 =	vperm.xlane v3, v2;
	v4 =	vadd.s32 v1, v4;
	_ =	sdelay $0x1  }
0xa3: {  	v3 =	vadd.s32 v1, v3;
	_ =	sdelay $0x1  }
0xa4: {  	s1 =	simm.s32 $0xBC00  }
0xa5: {  	[tilespmem:s1], [sflag:$0x2] =	stream.indirect_vreg.gather [hbm4b:s3+s2], $0x80, v4, vm0, $0xb8;
	[tilespmem:$0x19C00] =	vst v63  }
0xa6: {  	s16 =	simm.s32 $0xC400  }
0xa7: {  	[tilespmem:s16], [sflag:$0x2] =	stream.indirect_vreg.gather [hbm4b:s3+s2], $0x80, v3, vm0, $0xb8;
	[tilespmem:$0x19C00] =	vst v63  }
0xa8: {  	v3 =	vld [tilespmem:$0xB0];
	_ =	sdelay $0x4  }
0xa9: {  	v51 =	vshll.u32 v3, $0x1  }
0xaa: {  	v3 =	vand.u32 $0x7, v3;
	v4 =	vand.u32 $0xFFFFFFF0, v51  }
0xab: {  	v3 =	vor.u32 v3, v4  }
0xac: {  	v4 =	vperm.xlane v3, v0;
	_ =	sdelay $0x1  }
0xad: {  	v3 =	vperm.xlane v3, v2;
	v4 =	vadd.s32 v1, v4;
	_ =	sdelay $0x1  }
0xae: {  	v3 =	vadd.s32 v1, v3;
	_ =	sdelay $0x1  }
0xaf: {  	s23 =	simm.s32 $0xCC00  }
0xb0: {  	[tilespmem:s23], [sflag:$0x2] =	stream.indirect_vreg.gather [hbm4b:s3+s2], $0x80, v4, vm0, $0xb8;
	[tilespmem:$0x19C00] =	vst v63  }
0xb1: {  	_ = 	snop  }
0xb2: {  	[tilespmem:s4], [sflag:$0x2] =	stream.indirect_vreg.gather [hbm4b:s3+s2], $0x80, v3, vm0, $0xb8;
	[tilespmem:$0x19C00] =	vst v63  }
0xb3: {  	v3 =	vld [tilespmem:$0xC0];
	_ =	sdelay $0x4  }
0xb4: {  	v52 =	vshll.u32 v3, $0x1  }
0xb5: {  	v3 =	vand.u32 $0x7, v3;
	v4 =	vand.u32 $0xFFFFFFF0, v52  }
0xb6: {  	v3 =	vor.u32 v3, v4  }
0xb7: {  	v4 =	vperm.xlane v3, v0;
	_ =	sdelay $0x1  }
0xb8: {  	v3 =	vperm.xlane v3, v2;
	v4 =	vadd.s32 v1, v4;
	_ =	sdelay $0x1  }
0xb9: {  	v3 =	vadd.s32 v1, v3;
	_ =	sdelay $0x2  }
0xba: {  	[tilespmem:s5], [sflag:$0x2] =	stream.indirect_vreg.gather [hbm4b:s3+s2], $0x80, v4, vm0, $0xb8;
	[tilespmem:$0x19C00] =	vst v63  }
0xbb: {  	_ = 	snop  }
0xbc: {  	[tilespmem:s6], [sflag:$0x2] =	stream.indirect_vreg.gather [hbm4b:s3+s2], $0x80, v3, vm0, $0xb8;
	[tilespmem:$0x19C00] =	vst v63  }
0xbd: {  	v3 =	vld [tilespmem:$0xD0];
	_ =	sdelay $0x4  }
0xbe: {  	v53 =	vshll.u32 v3, $0x1  }
0xbf: {  	v3 =	vand.u32 $0x7, v3;
	v4 =	vand.u32 $0xFFFFFFF0, v53  }
0xc0: {  	v3 =	vor.u32 v3, v4  }
0xc1: {  	v4 =	vperm.xlane v3, v0;
	_ =	sdelay $0x1  }
0xc2: {  	v3 =	vperm.xlane v3, v2;
	v4 =	vadd.s32 v1, v4;
	_ =	sdelay $0x1  }
0xc3: {  	v3 =	vadd.s32 v1, v3;
	_ =	sdelay $0x2  }
0xc4: {  	[tilespmem:s7], [sflag:$0x2] =	stream.indirect_vreg.gather [hbm4b:s3+s2], $0x80, v4, vm0, $0xb8;
	[tilespmem:$0x19C00] =	vst v63  }
0xc5: {  	_ = 	snop  }
0xc6: {  	[tilespmem:s9], [sflag:$0x2] =	stream.indirect_vreg.gather [hbm4b:s3+s2], $0x80, v3, vm0, $0xb8;
	[tilespmem:$0x19C00] =	vst v63  }
0xc7: {  	v3 =	vld [tilespmem:$0xE0];
	_ =	sdelay $0x4  }
0xc8: {  	v54 =	vshll.u32 v3, $0x1  }
0xc9: {  	v3 =	vand.u32 $0x7, v3;
	v4 =	vand.u32 $0xFFFFFFF0, v54  }
0xca: {  	v3 =	vor.u32 v3, v4  }
0xcb: {  	v4 =	vperm.xlane v3, v0;
	_ =	sdelay $0x1  }
0xcc: {  	v3 =	vperm.xlane v3, v2;
	v4 =	vadd.s32 v1, v4;
	_ =	sdelay $0x1  }
0xcd: {  	v3 =	vadd.s32 v1, v3;
	_ =	sdelay $0x2  }
0xce: {  	[tilespmem:s11], [sflag:$0x2] =	stream.indirect_vreg.gather [hbm4b:s3+s2], $0x80, v4, vm0, $0xb8;
	[tilespmem:$0x19C00] =	vst v63  }
0xcf: {  	_ = 	snop  }
0xd0: {  	[tilespmem:s12], [sflag:$0x2] =	stream.indirect_vreg.gather [hbm4b:s3+s2], $0x80, v3, vm0, $0xb8;
	[tilespmem:$0x19C00] =	vst v63  }
0xd1: {  	v3 =	vld [tilespmem:$0xF0];
	_ =	sdelay $0x4  }
0xd2: {  	v55 =	vshll.u32 v3, $0x1  }
0xd3: {  	v3 =	vand.u32 $0x7, v3;
	v4 =	vand.u32 $0xFFFFFFF0, v55  }
0xd4: {  	v3 =	vor.u32 v3, v4  }
0xd5: {  	v4 =	vperm.xlane v3, v0;
	_ =	sdelay $0x1  }
0xd6: {  	v3 =	vperm.xlane v3, v2;
	v4 =	vadd.s32 v1, v4;
	_ =	sdelay $0x1  }
0xd7: {  	v3 =	vadd.s32 v1, v3;
	_ =	sdelay $0x2  }
0xd8: {  	[tilespmem:s13], [sflag:$0x2] =	stream.indirect_vreg.gather [hbm4b:s3+s2], $0x80, v4, vm0, $0xb8;
	[tilespmem:$0x19C00] =	vst v63  }
0xd9: {  	_ = 	snop  }
0xda: {  	[tilespmem:s14], [sflag:$0x2] =	stream.indirect_vreg.gather [hbm4b:s3+s2], $0x80, v3, vm0, $0xb8;
	[tilespmem:$0x19C00] =	vst v63  }
0xdb: {  	v3 =	vld [tilespmem:$0x100];
	_ =	sdelay $0x4  }
0xdc: {  	v56 =	vshll.u32 v3, $0x1  }
0xdd: {  	v3 =	vand.u32 $0x7, v3;
	v4 =	vand.u32 $0xFFFFFFF0, v56  }
0xde: {  	v3 =	vor.u32 v3, v4  }
0xdf: {  	v4 =	vperm.xlane v3, v0;
	_ =	sdelay $0x1  }
0xe0: {  	v3 =	vperm.xlane v3, v2;
	v4 =	vadd.s32 v1, v4;
	_ =	sdelay $0x1  }
0xe1: {  	v3 =	vadd.s32 v1, v3;
	_ =	sdelay $0x2  }
0xe2: {  	[tilespmem:s15], [sflag:$0x3] =	stream.indirect_vreg.gather [hbm4b:s3+s2], $0x80, v4, vm0, $0xb8;
	[tilespmem:$0x19C00] =	vst v63  }
0xe3: {  	s1 =	simm.s32 $0x12400  }
0xe4: {  	[tilespmem:s1], [sflag:$0x3] =	stream.indirect_vreg.gather [hbm4b:s3+s2], $0x80, v3, vm0, $0xb8;
	[tilespmem:$0x19C00] =	vst v63  }
0xe5: {  	v3 =	vld [tilespmem:$0x110];
	_ =	sdelay $0x4  }
0xe6: {  	v57 =	vshll.u32 v3, $0x1  }
0xe7: {  	v3 =	vand.u32 $0x7, v3;
	v4 =	vand.u32 $0xFFFFFFF0, v57  }
0xe8: {  	v3 =	vor.u32 v3, v4  }
0xe9: {  	v4 =	vperm.xlane v3, v0;
	_ =	sdelay $0x1  }
0xea: {  	v3 =	vperm.xlane v3, v2;
	v4 =	vadd.s32 v1, v4;
	_ =	sdelay $0x1  }
0xeb: {  	v3 =	vadd.s32 v1, v3;
	_ =	sdelay $0x1  }
0xec: {  	s16 =	simm.s32 $0x12C00  }
0xed: {  	[tilespmem:s16], [sflag:$0x3] =	stream.indirect_vreg.gather [hbm4b:s3+s2], $0x80, v4, vm0, $0xb8;
	[tilespmem:$0x19C00] =	vst v63  }
0xee: {  	s23 =	simm.s32 $0x13400  }
0xef: {  	[tilespmem:s23], [sflag:$0x3] =	stream.indirect_vreg.gather [hbm4b:s3+s2], $0x80, v3, vm0, $0xb8;
	[tilespmem:$0x19C00] =	vst v63  }
0xf0: {  	v3 =	vld [tilespmem:$0x120];
	_ =	sdelay $0x4  }
0xf1: {  	v58 =	vshll.u32 v3, $0x1  }
0xf2: {  	v3 =	vand.u32 $0x7, v3;
	v4 =	vand.u32 $0xFFFFFFF0, v58  }
0xf3: {  	v3 =	vor.u32 v3, v4  }
0xf4: {  	v4 =	vperm.xlane v3, v0;
	_ =	sdelay $0x1  }
0xf5: {  	v3 =	vperm.xlane v3, v2;
	v4 =	vadd.s32 v1, v4;
	_ =	sdelay $0x1  }
0xf6: {  	v3 =	vadd.s32 v1, v3;
	_ =	sdelay $0x1  }
0xf7: {  	s1 =	simm.s32 $0x13C00  }
0xf8: {  	[tilespmem:s1], [sflag:$0x3] =	stream.indirect_vreg.gather [hbm4b:s3+s2], $0x80, v4, vm0, $0xb8;
	[tilespmem:$0x19C00] =	vst v63  }
0xf9: {  	s16 =	simm.s32 $0x14400  }
0xfa: {  	[tilespmem:s16], [sflag:$0x3] =	stream.indirect_vreg.gather [hbm4b:s3+s2], $0x80, v3, vm0, $0xb8;
	[tilespmem:$0x19C00] =	vst v63  }
0xfb: {  	v3 =	vld [tilespmem:$0x130];
	_ =	sdelay $0x4  }
0xfc: {  	v59 =	vshll.u32 v3, $0x1  }
0xfd: {  	v3 =	vand.u32 $0x7, v3;
	v4 =	vand.u32 $0xFFFFFFF0, v59  }
0xfe: {  	v3 =	vor.u32 v3, v4  }
0xff: {  	v4 =	vperm.xlane v3, v0;
	_ =	sdelay $0x1  }
0x100: {  	v3 =	vperm.xlane v3, v2;
	v4 =	vadd.s32 v1, v4;
	_ =	sdelay $0x1  }
0x101: {  	v3 =	vadd.s32 v1, v3;
	_ =	sdelay $0x1  }
0x102: {  	s23 =	simm.s32 $0x14C00  }
0x103: {  	[tilespmem:s23], [sflag:$0x3] =	stream.indirect_vreg.gather [hbm4b:s3+s2], $0x80, v4, vm0, $0xb8;
	[tilespmem:$0x19C00] =	vst v63  }
0x104: {  	s1 =	simm.s32 $0x15400  }
0x105: {  	[tilespmem:s1], [sflag:$0x3] =	stream.indirect_vreg.gather [hbm4b:s3+s2], $0x80, v3, vm0, $0xb8;
	[tilespmem:$0x19C00] =	vst v63  }
0x106: {  	v3 =	vld [tilespmem:$0x140];
	_ =	sdelay $0x4  }
0x107: {  	v60 =	vshll.u32 v3, $0x1  }
0x108: {  	v3 =	vand.u32 $0x7, v3;
	v4 =	vand.u32 $0xFFFFFFF0, v60  }
0x109: {  	v3 =	vor.u32 v3, v4  }
0x10a: {  	v4 =	vperm.xlane v3, v0;
	_ =	sdelay $0x1  }
0x10b: {  	v3 =	vperm.xlane v3, v2;
	v4 =	vadd.s32 v1, v4;
	_ =	sdelay $0x1  }
0x10c: {  	v3 =	vadd.s32 v1, v3;
	_ =	sdelay $0x1  }
0x10d: {  	s16 =	simm.s32 $0x15C00  }
0x10e: {  	[tilespmem:s16], [sflag:$0x3] =	stream.indirect_vreg.gather [hbm4b:s3+s2], $0x80, v4, vm0, $0xb8;
	[tilespmem:$0x19C00] =	vst v63  }
0x10f: {  	s23 =	simm.s32 $0x16400  }
0x110: {  	[tilespmem:s23], [sflag:$0x3] =	stream.indirect_vreg.gather [hbm4b:s3+s2], $0x80, v3, vm0, $0xb8;
	[tilespmem:$0x19C00] =	vst v63  }
0x111: {  	v3 =	vld [tilespmem:$0x150];
	_ =	sdelay $0x4  }
0x112: {  	v61 =	vshll.u32 v3, $0x1  }
0x113: {  	v3 =	vand.u32 $0x7, v3;
	v4 =	vand.u32 $0xFFFFFFF0, v61  }
0x114: {  	v3 =	vor.u32 v3, v4  }
0x115: {  	v4 =	vperm.xlane v3, v0;
	_ =	sdelay $0x1  }
0x116: {  	v3 =	vperm.xlane v3, v2;
	v4 =	vadd.s32 v1, v4;
	_ =	sdelay $0x1  }
0x117: {  	v3 =	vadd.s32 v1, v3;
	_ =	sdelay $0x2  }
0x118: {  	[tilespmem:s17], [sflag:$0x3] =	stream.indirect_vreg.gather [hbm4b:s3+s2], $0x80, v4, vm0, $0xb8;
	[tilespmem:$0x19C00] =	vst v63  }
0x119: {  	_ = 	snop  }
0x11a: {  	[tilespmem:s24], [sflag:$0x3] =	stream.indirect_vreg.gather [hbm4b:s3+s2], $0x80, v3, vm0, $0xb8;
	[tilespmem:$0x19C00] =	vst v63  }
0x11b: {  	v3 =	vld [tilespmem:$0x160];
	_ =	sdelay $0x4  }
0x11c: {  	v62 =	vshll.u32 v3, $0x1  }
0x11d: {  	v3 =	vand.u32 $0x7, v3;
	v4 =	vand.u32 $0xFFFFFFF0, v62  }
0x11e: {  	v3 =	vor.u32 v3, v4  }
0x11f: {  	v4 =	vperm.xlane v3, v0;
	_ =	sdelay $0x1  }
0x120: {  	v3 =	vperm.xlane v3, v2;
	v4 =	vadd.s32 v1, v4;
	_ =	sdelay $0x1  }
0x121: {  	v3 =	vadd.s32 v1, v3;
	_ =	sdelay $0x2  }
0x122: {  	[tilespmem:s25], [sflag:$0x3] =	stream.indirect_vreg.gather [hbm4b:s3+s2], $0x80, v4, vm0, $0xb8;
	[tilespmem:$0x19C00] =	vst v63  }
0x123: {  	_ = 	snop  }
0x124: {  	[tilespmem:s18], [sflag:$0x3] =	stream.indirect_vreg.gather [hbm4b:s3+s2], $0x80, v3, vm0, $0xb8;
	[tilespmem:$0x19C00] =	vst v63  }
0x125: {  	v3 =	vld [tilespmem:$0x170];
	_ =	sdelay $0x4  }
0x126: {  	v63 =	vshll.u32 v3, $0x1  }
0x127: {  	v3 =	vand.u32 $0x7, v3;
	v4 =	vand.u32 $0xFFFFFFF0, v63  }
0x128: {  	v3 =	vor.u32 v3, v4  }
0x129: {  	v4 =	vperm.xlane v3, v0;
	_ =	sdelay $0x1  }
0x12a: {  	v3 =	vperm.xlane v3, v2;
	v4 =	vadd.s32 v1, v4;
	_ =	sdelay $0x1  }
0x12b: {  	v3 =	vadd.s32 v1, v3;
	_ =	sdelay $0x2  }
0x12c: {  	[tilespmem:s19], [sflag:$0x3] =	stream.indirect_vreg.gather [hbm4b:s3+s2], $0x80, v4, vm0, $0xb8;
	[tilespmem:$0x19C00] =	vst v63  }
0x12d: {  	s1 =	simm.s32 $0x0;
	s16 =	simm.s32 $0x2F0  }
0x12e: {  	[tilespmem:s28], [sflag:$0x3] =	stream.indirect_vreg.gather [hbm4b:s3+s2], $0x80, v3, vm0, $0xb8;
	[tilespmem:$0x19C00] =	vst v63  }
.LBB2_2:
0x12f: {  	_ =	swait.ge [sflag:s20], $0x8000  }
0x130: {  	[sflag:s20] =	ssyncset.done $0x0  }
0x131: {  	s23 =	sadd.s32 s1, s8;
	[sflag:s20] =	ssyncadd.s32 $0xFFFF8000  }
0x132: {  	[hbm4b:s23+s2] =	stream.linear.scatter [tilespmem:s10], [sflag:$0x4], $0x8000, $0x38;
	[tilespmem:$0x19C00] =	vst v63  }
0x133: {  	_ =	swait.ge [sflag:s29], $0x8000  }
0x134: {  	[sflag:s29] =	ssyncset.done $0x0  }
0x135: {  	[sflag:s29] =	ssyncadd.s32 $0xFFFF8000  }
0x136: {  	v3 =	vld [tilespmem:s16+$0xFFFFFE90];
	_ =	sdelay $0x4  }
0x137: {  	v4 =	vshll.u32 v3, $0x1  }
0x138: {  	v3 =	vand.u32 $0x7, v3;
	v4 =	vand.u32 $0xFFFFFFF0, v4  }
0x139: {  	v3 =	vor.u32 v3, v4  }
0x13a: {  	v4 =	vperm.xlane v3, v0;
	_ =	sdelay $0x1  }
0x13b: {  	v3 =	vperm.xlane v3, v2;
	v4 =	vadd.s32 v1, v4;
	_ =	sdelay $0x1  }
0x13c: {  	v3 =	vadd.s32 v1, v3;
	_ =	sdelay $0x2  }
0x13d: {  	[tilespmem:s10], [sflag:$0x1] =	stream.indirect_vreg.gather [hbm4b:s3+s2], $0x80, v4, vm0, $0xb8;
	[tilespmem:$0x19C00] =	vst v63  }
0x13e: {  	s0 =	simm.s32 $0x2400  }
0x13f: {  	[tilespmem:s0], [sflag:$0x1] =	stream.indirect_vreg.gather [hbm4b:s3+s2], $0x80, v3, vm0, $0xb8;
	[tilespmem:$0x19C00] =	vst v63  }
0x140: {  	v3 =	vld [tilespmem:s16+$0xFFFFFEA0];
	_ =	sdelay $0x4  }
0x141: {  	v49 =	vshll.u32 v3, $0x1  }
0x142: {  	v3 =	vand.u32 $0x7, v3;
	v4 =	vand.u32 $0xFFFFFFF0, v49  }
0x143: {  	v3 =	vor.u32 v3, v4  }
0x144: {  	v4 =	vperm.xlane v3, v0;
	_ =	sdelay $0x1  }
0x145: {  	v3 =	vperm.xlane v3, v2;
	v4 =	vadd.s32 v1, v4;
	_ =	sdelay $0x1  }
0x146: {  	v3 =	vadd.s32 v1, v3;
	_ =	sdelay $0x1  }
0x147: {  	s0 =	simm.s32 $0x2C00  }
0x148: {  	[tilespmem:s0], [sflag:$0x1] =	stream.indirect_vreg.gather [hbm4b:s3+s2], $0x80, v4, vm0, $0xb8;
	[tilespmem:$0x19C00] =	vst v63  }
0x149: {  	s0 =	simm.s32 $0x3400  }
0x14a: {  	[tilespmem:s0], [sflag:$0x1] =	stream.indirect_vreg.gather [hbm4b:s3+s2], $0x80, v3, vm0, $0xb8;
	[tilespmem:$0x19C00] =	vst v63  }
0x14b: {  	v3 =	vld [tilespmem:s16+$0xFFFFFEB0];
	_ =	sdelay $0x4  }
0x14c: {  	v50 =	vshll.u32 v3, $0x1  }
0x14d: {  	v3 =	vand.u32 $0x7, v3;
	v4 =	vand.u32 $0xFFFFFFF0, v50  }
0x14e: {  	v3 =	vor.u32 v3, v4  }
0x14f: {  	v4 =	vperm.xlane v3, v0;
	_ =	sdelay $0x1  }
0x150: {  	v3 =	vperm.xlane v3, v2;
	v4 =	vadd.s32 v1, v4;
	_ =	sdelay $0x1  }
0x151: {  	v3 =	vadd.s32 v1, v3;
	_ =	sdelay $0x1  }
0x152: {  	s0 =	simm.s32 $0x3C00  }
0x153: {  	[tilespmem:s0], [sflag:$0x1] =	stream.indirect_vreg.gather [hbm4b:s3+s2], $0x80, v4, vm0, $0xb8;
	[tilespmem:$0x19C00] =	vst v63  }
0x154: {  	s0 =	simm.s32 $0x4400  }
0x155: {  	[tilespmem:s0], [sflag:$0x1] =	stream.indirect_vreg.gather [hbm4b:s3+s2], $0x80, v3, vm0, $0xb8;
	[tilespmem:$0x19C00] =	vst v63  }
0x156: {  	v3 =	vld [tilespmem:s16+$0xFFFFFEC0];
	_ =	sdelay $0x4  }
0x157: {  	v51 =	vshll.u32 v3, $0x1  }
0x158: {  	v3 =	vand.u32 $0x7, v3;
	v4 =	vand.u32 $0xFFFFFFF0, v51  }
0x159: {  	v3 =	vor.u32 v3, v4  }
0x15a: {  	v4 =	vperm.xlane v3, v0;
	_ =	sdelay $0x1  }
0x15b: {  	v3 =	vperm.xlane v3, v2;
	v4 =	vadd.s32 v1, v4;
	_ =	sdelay $0x1  }
0x15c: {  	v3 =	vadd.s32 v1, v3;
	_ =	sdelay $0x1  }
0x15d: {  	s0 =	simm.s32 $0x4C00  }
0x15e: {  	[tilespmem:s0], [sflag:$0x1] =	stream.indirect_vreg.gather [hbm4b:s3+s2], $0x80, v4, vm0, $0xb8;
	[tilespmem:$0x19C00] =	vst v63  }
0x15f: {  	s0 =	simm.s32 $0x5400  }
0x160: {  	[tilespmem:s0], [sflag:$0x1] =	stream.indirect_vreg.gather [hbm4b:s3+s2], $0x80, v3, vm0, $0xb8;
	[tilespmem:$0x19C00] =	vst v63  }
0x161: {  	v3 =	vld [tilespmem:s16+$0xFFFFFED0];
	_ =	sdelay $0x4  }
0x162: {  	v52 =	vshll.u32 v3, $0x1  }
0x163: {  	v3 =	vand.u32 $0x7, v3;
	v4 =	vand.u32 $0xFFFFFFF0, v52  }
0x164: {  	v3 =	vor.u32 v3, v4  }
0x165: {  	v4 =	vperm.xlane v3, v0;
	_ =	sdelay $0x1  }
0x166: {  	v3 =	vperm.xlane v3, v2;
	v4 =	vadd.s32 v1, v4;
	_ =	sdelay $0x1  }
0x167: {  	v3 =	vadd.s32 v1, v3;
	_ =	sdelay $0x1  }
0x168: {  	s0 =	simm.s32 $0x5C00  }
0x169: {  	[tilespmem:s0], [sflag:$0x1] =	stream.indirect_vreg.gather [hbm4b:s3+s2], $0x80, v4, vm0, $0xb8;
	[tilespmem:$0x19C00] =	vst v63  }
0x16a: {  	s0 =	simm.s32 $0x6400  }
0x16b: {  	[tilespmem:s0], [sflag:$0x1] =	stream.indirect_vreg.gather [hbm4b:s3+s2], $0x80, v3, vm0, $0xb8;
	[tilespmem:$0x19C00] =	vst v63  }
0x16c: {  	v3 =	vld [tilespmem:s16+$0xFFFFFEE0];
	_ =	sdelay $0x4  }
0x16d: {  	v53 =	vshll.u32 v3, $0x1  }
0x16e: {  	v3 =	vand.u32 $0x7, v3;
	v4 =	vand.u32 $0xFFFFFFF0, v53  }
0x16f: {  	v3 =	vor.u32 v3, v4  }
0x170: {  	v4 =	vperm.xlane v3, v0;
	_ =	sdelay $0x1  }
0x171: {  	v3 =	vperm.xlane v3, v2;
	v4 =	vadd.s32 v1, v4;
	_ =	sdelay $0x1  }
0x172: {  	v3 =	vadd.s32 v1, v3;
	_ =	sdelay $0x1  }
0x173: {  	s0 =	simm.s32 $0x6C00  }
0x174: {  	[tilespmem:s0], [sflag:$0x1] =	stream.indirect_vreg.gather [hbm4b:s3+s2], $0x80, v4, vm0, $0xb8;
	[tilespmem:$0x19C00] =	vst v63  }
0x175: {  	s0 =	simm.s32 $0x7400  }
0x176: {  	[tilespmem:s0], [sflag:$0x1] =	stream.indirect_vreg.gather [hbm4b:s3+s2], $0x80, v3, vm0, $0xb8;
	[tilespmem:$0x19C00] =	vst v63  }
0x177: {  	v3 =	vld [tilespmem:s16+$0xFFFFFEF0];
	_ =	sdelay $0x4  }
0x178: {  	v54 =	vshll.u32 v3, $0x1  }
0x179: {  	v3 =	vand.u32 $0x7, v3;
	v4 =	vand.u32 $0xFFFFFFF0, v54  }
0x17a: {  	v3 =	vor.u32 v3, v4  }
0x17b: {  	v4 =	vperm.xlane v3, v0;
	_ =	sdelay $0x1  }
0x17c: {  	v3 =	vperm.xlane v3, v2;
	v4 =	vadd.s32 v1, v4;
	_ =	sdelay $0x1  }
0x17d: {  	v3 =	vadd.s32 v1, v3;
	_ =	sdelay $0x1  }
0x17e: {  	s0 =	simm.s32 $0x7C00  }
0x17f: {  	[tilespmem:s0], [sflag:$0x1] =	stream.indirect_vreg.gather [hbm4b:s3+s2], $0x80, v4, vm0, $0xb8;
	[tilespmem:$0x19C00] =	vst v63  }
0x180: {  	s0 =	simm.s32 $0x8400  }
0x181: {  	[tilespmem:s0], [sflag:$0x1] =	stream.indirect_vreg.gather [hbm4b:s3+s2], $0x80, v3, vm0, $0xb8;
	[tilespmem:$0x19C00] =	vst v63  }
0x182: {  	v3 =	vld [tilespmem:s16+$0xFFFFFF00];
	_ =	sdelay $0x4  }
0x183: {  	v55 =	vshll.u32 v3, $0x1  }
0x184: {  	v3 =	vand.u32 $0x7, v3;
	v4 =	vand.u32 $0xFFFFFFF0, v55  }
0x185: {  	v3 =	vor.u32 v3, v4  }
0x186: {  	v4 =	vperm.xlane v3, v0;
	_ =	sdelay $0x1  }
0x187: {  	v3 =	vperm.xlane v3, v2;
	v4 =	vadd.s32 v1, v4;
	_ =	sdelay $0x1  }
0x188: {  	v3 =	vadd.s32 v1, v3;
	_ =	sdelay $0x1  }
0x189: {  	s0 =	simm.s32 $0x8C00  }
0x18a: {  	[tilespmem:s0], [sflag:$0x1] =	stream.indirect_vreg.gather [hbm4b:s3+s2], $0x80, v4, vm0, $0xb8;
	[tilespmem:$0x19C00] =	vst v63  }
0x18b: {  	s0 =	simm.s32 $0x9400  }
0x18c: {  	[tilespmem:s0], [sflag:$0x1] =	stream.indirect_vreg.gather [hbm4b:s3+s2], $0x80, v3, vm0, $0xb8;
	[tilespmem:$0x19C00] =	vst v63  }
0x18d: {  	_ =	swait.ge [sflag:s21], $0x8000  }
0x18e: {  	[sflag:s21] =	ssyncset.done $0x0  }
0x18f: {  	s0 =	sadd.s32 $0x1000, s23;
	[sflag:s21] =	ssyncadd.s32 $0xFFFF8000  }
0x190: {  	[hbm4b:s0+s2] =	stream.linear.scatter [tilespmem:s26], [sflag:$0x5], $0x8000, $0x38;
	[tilespmem:$0x19C00] =	vst v63  }
0x191: {  	_ =	swait.ge [sflag:s30], $0x8000  }
0x192: {  	[sflag:s30] =	ssyncset.done $0x0  }
0x193: {  	[sflag:s30] =	ssyncadd.s32 $0xFFFF8000  }
0x194: {  	v3 =	vld [tilespmem:s16+$0xFFFFFF10];
	_ =	sdelay $0x4  }
0x195: {  	v56 =	vshll.u32 v3, $0x1  }
0x196: {  	v3 =	vand.u32 $0x7, v3;
	v4 =	vand.u32 $0xFFFFFFF0, v56  }
0x197: {  	v3 =	vor.u32 v3, v4  }
0x198: {  	v4 =	vperm.xlane v3, v0;
	_ =	sdelay $0x1  }
0x199: {  	v3 =	vperm.xlane v3, v2;
	v4 =	vadd.s32 v1, v4;
	_ =	sdelay $0x1  }
0x19a: {  	v3 =	vadd.s32 v1, v3;
	_ =	sdelay $0x2  }
0x19b: {  	[tilespmem:s26], [sflag:$0x2] =	stream.indirect_vreg.gather [hbm4b:s3+s2], $0x80, v4, vm0, $0xb8;
	[tilespmem:$0x19C00] =	vst v63  }
0x19c: {  	s0 =	simm.s32 $0xA400  }
0x19d: {  	[tilespmem:s0], [sflag:$0x2] =	stream.indirect_vreg.gather [hbm4b:s3+s2], $0x80, v3, vm0, $0xb8;
	[tilespmem:$0x19C00] =	vst v63  }
0x19e: {  	v3 =	vld [tilespmem:s16+$0xFFFFFF20];
	_ =	sdelay $0x4  }
0x19f: {  	v57 =	vshll.u32 v3, $0x1  }
0x1a0: {  	v3 =	vand.u32 $0x7, v3;
	v4 =	vand.u32 $0xFFFFFFF0, v57  }
0x1a1: {  	v3 =	vor.u32 v3, v4  }
0x1a2: {  	v4 =	vperm.xlane v3, v0;
	_ =	sdelay $0x1  }
0x1a3: {  	v3 =	vperm.xlane v3, v2;
	v4 =	vadd.s32 v1, v4;
	_ =	sdelay $0x1  }
0x1a4: {  	v3 =	vadd.s32 v1, v3;
	_ =	sdelay $0x1  }
0x1a5: {  	s0 =	simm.s32 $0xAC00  }
0x1a6: {  	[tilespmem:s0], [sflag:$0x2] =	stream.indirect_vreg.gather [hbm4b:s3+s2], $0x80, v4, vm0, $0xb8;
	[tilespmem:$0x19C00] =	vst v63  }
0x1a7: {  	s0 =	simm.s32 $0xB400  }
0x1a8: {  	[tilespmem:s0], [sflag:$0x2] =	stream.indirect_vreg.gather [hbm4b:s3+s2], $0x80, v3, vm0, $0xb8;
	[tilespmem:$0x19C00] =	vst v63  }
0x1a9: {  	v3 =	vld [tilespmem:s16+$0xFFFFFF30];
	_ =	sdelay $0x4  }
0x1aa: {  	v58 =	vshll.u32 v3, $0x1  }
0x1ab: {  	v3 =	vand.u32 $0x7, v3;
	v4 =	vand.u32 $0xFFFFFFF0, v58  }
0x1ac: {  	v3 =	vor.u32 v3, v4  }
0x1ad: {  	v4 =	vperm.xlane v3, v0;
	_ =	sdelay $0x1  }
0x1ae: {  	v3 =	vperm.xlane v3, v2;
	v4 =	vadd.s32 v1, v4;
	_ =	sdelay $0x1  }
0x1af: {  	v3 =	vadd.s32 v1, v3;
	_ =	sdelay $0x1  }
0x1b0: {  	s0 =	simm.s32 $0xBC00  }
0x1b1: {  	[tilespmem:s0], [sflag:$0x2] =	stream.indirect_vreg.gather [hbm4b:s3+s2], $0x80, v4, vm0, $0xb8;
	[tilespmem:$0x19C00] =	vst v63  }
0x1b2: {  	s0 =	simm.s32 $0xC400  }
0x1b3: {  	[tilespmem:s0], [sflag:$0x2] =	stream.indirect_vreg.gather [hbm4b:s3+s2], $0x80, v3, vm0, $0xb8;
	[tilespmem:$0x19C00] =	vst v63  }
0x1b4: {  	v3 =	vld [tilespmem:s16+$0xFFFFFF40];
	_ =	sdelay $0x4  }
0x1b5: {  	v59 =	vshll.u32 v3, $0x1  }
0x1b6: {  	v3 =	vand.u32 $0x7, v3;
	v4 =	vand.u32 $0xFFFFFFF0, v59  }
0x1b7: {  	v3 =	vor.u32 v3, v4  }
0x1b8: {  	v4 =	vperm.xlane v3, v0;
	_ =	sdelay $0x1  }
0x1b9: {  	v3 =	vperm.xlane v3, v2;
	v4 =	vadd.s32 v1, v4;
	_ =	sdelay $0x1  }
0x1ba: {  	v3 =	vadd.s32 v1, v3;
	_ =	sdelay $0x1  }
0x1bb: {  	s0 =	simm.s32 $0xCC00  }
0x1bc: {  	[tilespmem:s0], [sflag:$0x2] =	stream.indirect_vreg.gather [hbm4b:s3+s2], $0x80, v4, vm0, $0xb8;
	[tilespmem:$0x19C00] =	vst v63  }
0x1bd: {  	_ = 	snop  }
0x1be: {  	[tilespmem:s4], [sflag:$0x2] =	stream.indirect_vreg.gather [hbm4b:s3+s2], $0x80, v3, vm0, $0xb8;
	[tilespmem:$0x19C00] =	vst v63  }
0x1bf: {  	v3 =	vld [tilespmem:s16+$0xFFFFFF50];
	_ =	sdelay $0x4  }
0x1c0: {  	v60 =	vshll.u32 v3, $0x1  }
0x1c1: {  	v3 =	vand.u32 $0x7, v3;
	v4 =	vand.u32 $0xFFFFFFF0, v60  }
0x1c2: {  	v3 =	vor.u32 v3, v4  }
0x1c3: {  	v4 =	vperm.xlane v3, v0;
	_ =	sdelay $0x1  }
0x1c4: {  	v3 =	vperm.xlane v3, v2;
	v4 =	vadd.s32 v1, v4;
	_ =	sdelay $0x1  }
0x1c5: {  	v3 =	vadd.s32 v1, v3;
	_ =	sdelay $0x2  }
0x1c6: {  	[tilespmem:s5], [sflag:$0x2] =	stream.indirect_vreg.gather [hbm4b:s3+s2], $0x80, v4, vm0, $0xb8;
	[tilespmem:$0x19C00] =	vst v63  }
0x1c7: {  	_ = 	snop  }
0x1c8: {  	[tilespmem:s6], [sflag:$0x2] =	stream.indirect_vreg.gather [hbm4b:s3+s2], $0x80, v3, vm0, $0xb8;
	[tilespmem:$0x19C00] =	vst v63  }
0x1c9: {  	v3 =	vld [tilespmem:s16+$0xFFFFFF60];
	_ =	sdelay $0x4  }
0x1ca: {  	v61 =	vshll.u32 v3, $0x1  }
0x1cb: {  	v3 =	vand.u32 $0x7, v3;
	v4 =	vand.u32 $0xFFFFFFF0, v61  }
0x1cc: {  	v3 =	vor.u32 v3, v4  }
0x1cd: {  	v4 =	vperm.xlane v3, v0;
	_ =	sdelay $0x1  }
0x1ce: {  	v3 =	vperm.xlane v3, v2;
	v4 =	vadd.s32 v1, v4;
	_ =	sdelay $0x1  }
0x1cf: {  	v3 =	vadd.s32 v1, v3;
	_ =	sdelay $0x2  }
0x1d0: {  	[tilespmem:s7], [sflag:$0x2] =	stream.indirect_vreg.gather [hbm4b:s3+s2], $0x80, v4, vm0, $0xb8;
	[tilespmem:$0x19C00] =	vst v63  }
0x1d1: {  	_ = 	snop  }
0x1d2: {  	[tilespmem:s9], [sflag:$0x2] =	stream.indirect_vreg.gather [hbm4b:s3+s2], $0x80, v3, vm0, $0xb8;
	[tilespmem:$0x19C00] =	vst v63  }
0x1d3: {  	v3 =	vld [tilespmem:s16+$0xFFFFFF70];
	_ =	sdelay $0x4  }
0x1d4: {  	v62 =	vshll.u32 v3, $0x1  }
0x1d5: {  	v3 =	vand.u32 $0x7, v3;
	v4 =	vand.u32 $0xFFFFFFF0, v62  }
0x1d6: {  	v3 =	vor.u32 v3, v4  }
0x1d7: {  	v4 =	vperm.xlane v3, v0;
	_ =	sdelay $0x1  }
0x1d8: {  	v3 =	vperm.xlane v3, v2;
	v4 =	vadd.s32 v1, v4;
	_ =	sdelay $0x1  }
0x1d9: {  	v3 =	vadd.s32 v1, v3;
	_ =	sdelay $0x2  }
0x1da: {  	[tilespmem:s11], [sflag:$0x2] =	stream.indirect_vreg.gather [hbm4b:s3+s2], $0x80, v4, vm0, $0xb8;
	[tilespmem:$0x19C00] =	vst v63  }
0x1db: {  	_ = 	snop  }
0x1dc: {  	[tilespmem:s12], [sflag:$0x2] =	stream.indirect_vreg.gather [hbm4b:s3+s2], $0x80, v3, vm0, $0xb8;
	[tilespmem:$0x19C00] =	vst v63  }
0x1dd: {  	v3 =	vld [tilespmem:s16+$0xFFFFFF80];
	_ =	sdelay $0x4  }
0x1de: {  	v63 =	vshll.u32 v3, $0x1  }
0x1df: {  	v3 =	vand.u32 $0x7, v3;
	v4 =	vand.u32 $0xFFFFFFF0, v63  }
0x1e0: {  	v3 =	vor.u32 v3, v4  }
0x1e1: {  	v4 =	vperm.xlane v3, v0;
	_ =	sdelay $0x1  }
0x1e2: {  	v3 =	vperm.xlane v3, v2;
	v4 =	vadd.s32 v1, v4;
	_ =	sdelay $0x1  }
0x1e3: {  	v3 =	vadd.s32 v1, v3;
	_ =	sdelay $0x2  }
0x1e4: {  	[tilespmem:s13], [sflag:$0x2] =	stream.indirect_vreg.gather [hbm4b:s3+s2], $0x80, v4, vm0, $0xb8;
	[tilespmem:$0x19C00] =	vst v63  }
0x1e5: {  	p0 =	seq.s32 s1, $0x2D000  }
0x1e6: {  	[tilespmem:s14], [sflag:$0x2] =	stream.indirect_vreg.gather [hbm4b:s3+s2], $0x80, v3, vm0, $0xb8;
	[tilespmem:$0x19C00] =	vst v63  }
.Ltmp2:
0x1e7: {  	_ = 	snop;
	(pc) =	sbr.rel @p0 .LBB2_4-.Ltmp2, $4  }
0x1e8: {  	_ =	swait.ge [sflag:s22], $0x8000  }
0x1e9: {  	[sflag:s22] =	ssyncset.done $0x0  }
0x1ea: {  	s23 =	sadd.s32 $0x2000, s23;
	[sflag:s22] =	ssyncadd.s32 $0xFFFF8000  }
0x1eb: {  	[hbm4b:s23+s2] =	stream.linear.scatter [tilespmem:s15], [sflag:$0x6], $0x8000, $0x38;
	[tilespmem:$0x19C00] =	vst v63  }
0x1ec: {  	_ =	swait.ge [sflag:s31], $0x8000  }
0x1ed: {  	[sflag:s31] =	ssyncset.done $0x0  }
0x1ee: {  	[sflag:s31] =	ssyncadd.s32 $0xFFFF8000  }
0x1ef: {  	v3 =	vld [tilespmem:s16+$0xFFFFFF90];
	_ =	sdelay $0x4  }
0x1f0: {  	v4 =	vshll.u32 v3, $0x1  }
0x1f1: {  	v3 =	vand.u32 $0x7, v3;
	v4 =	vand.u32 $0xFFFFFFF0, v4  }
0x1f2: {  	v3 =	vor.u32 v3, v4  }
0x1f3: {  	v4 =	vperm.xlane v3, v0;
	_ =	sdelay $0x1  }
0x1f4: {  	v3 =	vperm.xlane v3, v2;
	v4 =	vadd.s32 v1, v4;
	_ =	sdelay $0x1  }
0x1f5: {  	v3 =	vadd.s32 v1, v3;
	_ =	sdelay $0x2  }
0x1f6: {  	[tilespmem:s15], [sflag:$0x3] =	stream.indirect_vreg.gather [hbm4b:s3+s2], $0x80, v4, vm0, $0xb8;
	[tilespmem:$0x19C00] =	vst v63  }
0x1f7: {  	s0 =	simm.s32 $0x12400  }
0x1f8: {  	[tilespmem:s0], [sflag:$0x3] =	stream.indirect_vreg.gather [hbm4b:s3+s2], $0x80, v3, vm0, $0xb8;
	[tilespmem:$0x19C00] =	vst v63  }
0x1f9: {  	v3 =	vld [tilespmem:s16+$0xFFFFFFA0];
	_ =	sdelay $0x4  }
0x1fa: {  	v57 =	vshll.u32 v3, $0x1  }
0x1fb: {  	v3 =	vand.u32 $0x7, v3;
	v4 =	vand.u32 $0xFFFFFFF0, v57  }
0x1fc: {  	v3 =	vor.u32 v3, v4  }
0x1fd: {  	v4 =	vperm.xlane v3, v0;
	_ =	sdelay $0x1  }
0x1fe: {  	v3 =	vperm.xlane v3, v2;
	v4 =	vadd.s32 v1, v4;
	_ =	sdelay $0x1  }
0x1ff: {  	v3 =	vadd.s32 v1, v3;
	_ =	sdelay $0x1  }
0x200: {  	s23 =	simm.s32 $0x12C00  }
0x201: {  	[tilespmem:s23], [sflag:$0x3] =	stream.indirect_vreg.gather [hbm4b:s3+s2], $0x80, v4, vm0, $0xb8;
	[tilespmem:$0x19C00] =	vst v63  }
0x202: {  	s23 =	simm.s32 $0x13400  }
0x203: {  	[tilespmem:s23], [sflag:$0x3] =	stream.indirect_vreg.gather [hbm4b:s3+s2], $0x80, v3, vm0, $0xb8;
	[tilespmem:$0x19C00] =	vst v63  }
0x204: {  	v3 =	vld [tilespmem:s16+$0xFFFFFFB0];
	_ =	sdelay $0x4  }
0x205: {  	v58 =	vshll.u32 v3, $0x1  }
0x206: {  	v3 =	vand.u32 $0x7, v3;
	v4 =	vand.u32 $0xFFFFFFF0, v58  }
0x207: {  	v3 =	vor.u32 v3, v4  }
0x208: {  	v4 =	vperm.xlane v3, v0;
	_ =	sdelay $0x1  }
0x209: {  	v3 =	vperm.xlane v3, v2;
	v4 =	vadd.s32 v1, v4;
	_ =	sdelay $0x1  }
0x20a: {  	v3 =	vadd.s32 v1, v3;
	_ =	sdelay $0x1  }
0x20b: {  	s23 =	simm.s32 $0x13C00  }
0x20c: {  	[tilespmem:s23], [sflag:$0x3] =	stream.indirect_vreg.gather [hbm4b:s3+s2], $0x80, v4, vm0, $0xb8;
	[tilespmem:$0x19C00] =	vst v63  }
0x20d: {  	s23 =	simm.s32 $0x14400  }
0x20e: {  	[tilespmem:s23], [sflag:$0x3] =	stream.indirect_vreg.gather [hbm4b:s3+s2], $0x80, v3, vm0, $0xb8;
	[tilespmem:$0x19C00] =	vst v63  }
0x20f: {  	v3 =	vld [tilespmem:s16+$0xFFFFFFC0];
	_ =	sdelay $0x4  }
0x210: {  	v59 =	vshll.u32 v3, $0x1  }
0x211: {  	v3 =	vand.u32 $0x7, v3;
	v4 =	vand.u32 $0xFFFFFFF0, v59  }
0x212: {  	v3 =	vor.u32 v3, v4  }
0x213: {  	v4 =	vperm.xlane v3, v0;
	_ =	sdelay $0x1  }
0x214: {  	v3 =	vperm.xlane v3, v2;
	v4 =	vadd.s32 v1, v4;
	_ =	sdelay $0x1  }
0x215: {  	v3 =	vadd.s32 v1, v3;
	_ =	sdelay $0x1  }
0x216: {  	s23 =	simm.s32 $0x14C00  }
0x217: {  	[tilespmem:s23], [sflag:$0x3] =	stream.indirect_vreg.gather [hbm4b:s3+s2], $0x80, v4, vm0, $0xb8;
	[tilespmem:$0x19C00] =	vst v63  }
0x218: {  	s23 =	simm.s32 $0x15400  }
0x219: {  	[tilespmem:s23], [sflag:$0x3] =	stream.indirect_vreg.gather [hbm4b:s3+s2], $0x80, v3, vm0, $0xb8;
	[tilespmem:$0x19C00] =	vst v63  }
0x21a: {  	v3 =	vld [tilespmem:s16+$0xFFFFFFD0];
	_ =	sdelay $0x4  }
0x21b: {  	v60 =	vshll.u32 v3, $0x1  }
0x21c: {  	v3 =	vand.u32 $0x7, v3;
	v4 =	vand.u32 $0xFFFFFFF0, v60  }
0x21d: {  	v3 =	vor.u32 v3, v4  }
0x21e: {  	v4 =	vperm.xlane v3, v0;
	_ =	sdelay $0x1  }
0x21f: {  	v3 =	vperm.xlane v3, v2;
	v4 =	vadd.s32 v1, v4;
	_ =	sdelay $0x1  }
0x220: {  	v3 =	vadd.s32 v1, v3;
	_ =	sdelay $0x1  }
0x221: {  	s23 =	simm.s32 $0x15C00  }
0x222: {  	[tilespmem:s23], [sflag:$0x3] =	stream.indirect_vreg.gather [hbm4b:s3+s2], $0x80, v4, vm0, $0xb8;
	[tilespmem:$0x19C00] =	vst v63  }
0x223: {  	s23 =	simm.s32 $0x16400  }
0x224: {  	[tilespmem:s23], [sflag:$0x3] =	stream.indirect_vreg.gather [hbm4b:s3+s2], $0x80, v3, vm0, $0xb8;
	[tilespmem:$0x19C00] =	vst v63  }
0x225: {  	v3 =	vld [tilespmem:s16+$0xFFFFFFE0];
	_ =	sdelay $0x4  }
0x226: {  	v61 =	vshll.u32 v3, $0x1  }
0x227: {  	v3 =	vand.u32 $0x7, v3;
	v4 =	vand.u32 $0xFFFFFFF0, v61  }
0x228: {  	v3 =	vor.u32 v3, v4  }
0x229: {  	v4 =	vperm.xlane v3, v0;
	_ =	sdelay $0x1  }
0x22a: {  	v3 =	vperm.xlane v3, v2;
	v4 =	vadd.s32 v1, v4;
	_ =	sdelay $0x1  }
0x22b: {  	v3 =	vadd.s32 v1, v3;
	_ =	sdelay $0x2  }
0x22c: {  	[tilespmem:s17], [sflag:$0x3] =	stream.indirect_vreg.gather [hbm4b:s3+s2], $0x80, v4, vm0, $0xb8;
	[tilespmem:$0x19C00] =	vst v63  }
0x22d: {  	_ = 	snop  }
0x22e: {  	[tilespmem:s24], [sflag:$0x3] =	stream.indirect_vreg.gather [hbm4b:s3+s2], $0x80, v3, vm0, $0xb8;
	[tilespmem:$0x19C00] =	vst v63  }
0x22f: {  	v3 =	vld [tilespmem:s16+$0xFFFFFFF0];
	_ =	sdelay $0x4  }
0x230: {  	v62 =	vshll.u32 v3, $0x1  }
0x231: {  	v3 =	vand.u32 $0x7, v3;
	v4 =	vand.u32 $0xFFFFFFF0, v62  }
0x232: {  	v3 =	vor.u32 v3, v4  }
0x233: {  	v4 =	vperm.xlane v3, v0;
	_ =	sdelay $0x1  }
0x234: {  	v3 =	vperm.xlane v3, v2;
	v4 =	vadd.s32 v1, v4;
	_ =	sdelay $0x1  }
0x235: {  	v3 =	vadd.s32 v1, v3;
	_ =	sdelay $0x2  }
0x236: {  	[tilespmem:s25], [sflag:$0x3] =	stream.indirect_vreg.gather [hbm4b:s3+s2], $0x80, v4, vm0, $0xb8;
	[tilespmem:$0x19C00] =	vst v63  }
0x237: {  	_ = 	snop  }
0x238: {  	[tilespmem:s18], [sflag:$0x3] =	stream.indirect_vreg.gather [hbm4b:s3+s2], $0x80, v3, vm0, $0xb8;
	[tilespmem:$0x19C00] =	vst v63  }
0x239: {  	v3 =	vld [tilespmem:s16+$0x0];
	_ =	sdelay $0x4  }
0x23a: {  	v63 =	vshll.u32 v3, $0x1  }
0x23b: {  	v3 =	vand.u32 $0x7, v3;
	v4 =	vand.u32 $0xFFFFFFF0, v63  }
0x23c: {  	v3 =	vor.u32 v3, v4  }
0x23d: {  	v4 =	vperm.xlane v3, v0;
	_ =	sdelay $0x1  }
0x23e: {  	v3 =	vperm.xlane v3, v2;
	v4 =	vadd.s32 v1, v4;
	_ =	sdelay $0x1  }
0x23f: {  	v3 =	vadd.s32 v1, v3  }
.Ltmp3:
0x240: {  	_ = 	snop;
	(pc) =	sbr.rel .LBB2_2-.Ltmp3, $4  }
0x241: {  	_ = 	snop  }
0x242: {  	[tilespmem:s19], [sflag:$0x3] =	stream.indirect_vreg.gather [hbm4b:s3+s2], $0x80, v4, vm0, $0xb8;
	[tilespmem:$0x19C00] =	vst v63  }
0x243: {  	s1 =	sadd.s32 $0x3000, s1;
	s16 =	sadd.s32 $0x180, s16  }
0x244: {  	[tilespmem:s28], [sflag:$0x3] =	stream.indirect_vreg.gather [hbm4b:s3+s2], $0x80, v3, vm0, $0xb8;
	[tilespmem:$0x19C00] =	vst v63  }
.LBB2_5:
0x245: {  	_ =	sfence.sel $0x180000  }
0x246: {  	[bflag:$0x0] =	sbarrier.arrive $0xFFFF  }
0x247: {  	_ =	strace $0x90000047  }
0x248: {  	s0 =	stileid.u32;
	[bflag:$0x2] =	sbarrier.arrive $0xFFFF  }
0x249: {  	p0 =	sne.s32 s0, $0x0;
	s0 =	rddreg [dreg:$0x2]  }
0x24a: {  	s0 =	sadd.s32 @!p0 $0x100000, s0  }
0x24b: {  	[sflag:s0] =	ssyncadd.tile.s32 @!p0 $0x1;
	_ =	shalt  }
.Lfunc_end2:
_tile_overlayer_lowered:
.L_overlay_start_2:
0x24c: {  	(tag) =	ssettag $0x2  }
0x24d: {  	s0 =	rddreg [dreg:$0x0];
	s2 =	stileid.u32  }
0x24e: {  	s1 =	rddreg [dreg:$0x1];
	p0 =	sne.s32 s2, $0x0  }
0x24f: {  	s3 =	rddreg [dreg:$0x2];
	[bflag:$0x3] =	sbarrier.arrive $0xFFFF;
	s2 =	simm.s32 @!p0 $0x1C07  }
0x250: {  	[timem:s3], [sflag:s2] =	dma.local @!p0 [hbm:s0], s1  }
0x251: {  	s0 =	simm.s32 @!p0 $0x7  }
0x252: {  	_ =	swait.ge @!p0 [sflag:s0], s1  }
0x253: {  	s1 =	ssub.s32 @!p0 $0x0, s1;
	[sflag:s0] =	ssyncset.done @!p0 $0x0  }
0x254: {  	[sflag:s0] =	ssyncadd.s32 @!p0 s1  }
0x255: {  	[bflag:$0x3] =	sbarrier.arrive $0xFFFF  }
0x256: {  	_ =	shalt  }

</sc_bundles>
